<compile_context>
chip_gen: v7x
topology: tpu7x:2x2x1
jax: 0.10.2.dev20260603
libtpu: 0.0.44.dev20260713+nightly
codegen_flags: <defaults>
</compile_context>

<pallas_src>
import functools

import jax
import jax.numpy as jnp
from jax import lax
from jax.experimental import pallas as pl
from jax.experimental.pallas import tpu as pltpu
from jax.experimental.pallas import tpu_sc as plsc

_CHUNK = 32


def _build_emb(pe, num_rows):
    vocab, d = pe.shape
    max_rel = (vocab - 1) // 2
    dist = (num_rows - 1) // 2
    info = plsc.get_sparse_core_info()
    nc, lanes = info.num_cores, info.num_lanes
    nw = nc * info.num_subcores
    n_chunks = -(-num_rows // _CHUNK)
    assert n_chunks % nw == 0 and _CHUNK % lanes == 0
    cpw = n_chunks // nw
    assert cpw >= 2

    def _unif_low(c):
        return (c + 1) * _CHUNK - 1 <= dist - max_rel

    def _unif_high(c):
        return c * _CHUNK >= dist + max_rel

    for w in range(nw):
        for k in range(1, cpw - 1):
            c = w * cpw + k
            assert _unif_low(c) or _unif_high(c)

    mesh = plsc.VectorSubcoreMesh(core_axis_name="c", subcore_axis_name="s")

    @functools.partial(
        pl.kernel,
        mesh=mesh,
        out_type=jax.ShapeDtypeStruct((num_rows, d), jnp.float32),
        scratch_types=[
            pltpu.VMEM((_CHUNK,), jnp.int32),
            pltpu.VMEM((_CHUNK,), jnp.int32),
            pltpu.VMEM((_CHUNK,), jnp.int32),
            pltpu.VMEM((_CHUNK, d), jnp.float32),
            pltpu.VMEM((_CHUNK, d), jnp.float32),
            pltpu.SemaphoreType.DMA,
            pltpu.SemaphoreType.DMA,
        ],
    )
    def emb_kernel(pe_hbm, out_hbm, gidx0, gidx1, oidx, buf0, buf1, gsem, ssem):
        wid = lax.axis_index("s") * nc + lax.axis_index("c")
        base = wid * cpw

        def row0(k):
            return (base + k) * _CHUNK

        def fill_gidx(ref, k):
            for t in range(_CHUNK // lanes):
                r = row0(k) + t * lanes + lax.iota(jnp.int32, lanes)
                ref[pl.ds(t * lanes, lanes)] = (
                    jnp.clip(r - dist, -max_rel, max_rel) + max_rel
                )

        def uniform_low(k):
            return row0(k) + _CHUNK - 1 <= dist - max_rel

        def uniform_high(k):
            return row0(k) >= dist + max_rel

        def linear_dst(k):
            return out_hbm.at[pl.ds(pl.multiple_of(row0(k), _CHUNK), _CHUNK)]

        fill_gidx(gidx0, 0)
        fill_gidx(gidx1, cpw - 1)
        for t in range(_CHUNK // lanes):
            r = row0(cpw - 1) + t * lanes + lax.iota(jnp.int32, lanes)
            oidx[pl.ds(t * lanes, lanes)] = jnp.minimum(r, num_rows - 1)
        cp0 = pltpu.make_async_copy(pe_hbm.at[gidx0], buf0, gsem)
        cp1 = pltpu.make_async_copy(pe_hbm.at[gidx1], buf1, gsem)
        cp0.start()
        cp1.start()
        cp0.wait()
        cp1.wait()

        pltpu.make_async_copy(buf0, linear_dst(0), ssem).start()
        for k in range(1, cpw - 1):
            from_first = (uniform_low(k) & uniform_low(0)) | (
                uniform_high(k) & uniform_high(0)
            )

            @pl.when(from_first)
            def _(k=k):
                pltpu.make_async_copy(buf0, linear_dst(k), ssem).start()

            @pl.when(jnp.logical_not(from_first))
            def _(k=k):
                pltpu.make_async_copy(buf1, linear_dst(k), ssem).start()

        pltpu.make_async_copy(buf1, out_hbm.at[oidx], ssem).start()

        for k in range(cpw - 1):
            pltpu.make_async_copy(buf0, linear_dst(k), ssem).wait()
        pltpu.make_async_copy(buf1, out_hbm.at[oidx], ssem).wait()

    return emb_kernel(pe)


_COPY_BLOCK = 256


def _copy_x(x):
    b, seq, d = x.shape
    assert seq % _COPY_BLOCK == 0

    def body(x_ref, o_ref):
        o_ref[...] = x_ref[...]

    spec = pl.BlockSpec((b, _COPY_BLOCK, d), lambda i: (0, i, 0))
    return pl.pallas_call(
        body,
        grid=(seq // _COPY_BLOCK,),
        in_specs=[spec],
        out_specs=spec,
        out_shape=jax.ShapeDtypeStruct(x.shape, x.dtype),
    )(x)


def kernel(x, pe):
    emb = _build_emb(pe, 2 * x.shape[1] - 1)
    return (_copy_x(x), emb)

# --- scband reference (transcript-rebuilt; emitter-appended) ---
"""Pipeline reference for scband-relative-positional-encoding-31095563223739 (READ-ONLY COPY).

The authoritative reference and input builder live on the scoring server;
editing this copy changes nothing except your own understanding.
"""

import math
import jax, jax.numpy as jnp
import numpy as np

D_MODEL = 1024
MAX_REL = 10


def _make_pe(d_model, max_relative_len):
    max_len = 2 * max_relative_len + 1
    position = np.arange(0.0, max_len)[:, None]
    div_term = np.exp(np.arange(0.0, d_model, 2) * -(math.log(10000.0) / d_model))
    pe = np.zeros((max_len, d_model), dtype=np.float32)
    pe[:, 0::2] = np.sin(position * div_term)
    pe[:, 1::2] = np.cos(position * div_term)
    return jnp.asarray(pe)


def setup_inputs(seed: int = 0) -> dict:
    key = jax.random.key(seed)
    x = jax.random.normal(key, (4, 4096, D_MODEL), dtype=jnp.float32)
    pe = _make_pe(D_MODEL, MAX_REL)
    return {"x": x, "pe": pe}


def reference(x, pe):
    # distance based on sequence length (dim 1)
    distance = x.shape[1] - 1
    range_vec = jnp.arange(-distance, distance + 1, dtype=jnp.int32)
    index_vec = jnp.clip(range_vec, -MAX_REL, MAX_REL)
    index_vec = index_vec + min(MAX_REL, distance)
    emb = jnp.take(pe, index_vec, axis=0)
    # dropout is identity in eval mode
    return (x, emb)

if __name__ == "__main__":
    import jax
    _d = setup_inputs()
    print(jax.jit(kernel)(*tuple(_d.values())))

</pallas_src>

<mosaic_0001>
#map = affine_map<(d0, d1) -> (0, 0)>
module attributes {stable_mosaic.version = 14 : i64} {
  func.func @emb_kernel(%arg0: i32, %arg1: i32, %arg2: memref<21x1024xf32, #tpu.memory_space<hbm>>, %arg3: memref<8191x1024xf32, #tpu.memory_space<hbm>>, %arg4: memref<32xi32, #tpu.memory_space<vmem>>, %arg5: memref<32xi32, #tpu.memory_space<vmem>>, %arg6: memref<32xi32, #tpu.memory_space<vmem>>, %arg7: memref<32x1024xf32, #tpu.memory_space<vmem>>, %arg8: memref<32x1024xf32, #tpu.memory_space<vmem>>, %arg9: memref<!tpu.dma_semaphore, #tpu.memory_space<semaphore_mem>>, %arg10: memref<!tpu.dma_semaphore, #tpu.memory_space<semaphore_mem>>) attributes {dimension_semantics = [#tpu.dimension_semantics<core_parallel>, #tpu.dimension_semantics<subcore_parallel>], iteration_bounds = array<i64: 2, 16>, scalar_prefetch = 0 : i64, scratch_operands = 7 : i64, tpu.core_type = #tpu.core_type<sc_vector_subcore>, window_params = [{transform_indices = #map}, {transform_indices = #map}]} {
    %mul3A = arith.constant 2 : i32
    %mul3A_0 = arith.muli %arg1, %mul3A : i32
    %add3A = arith.addi %mul3A_0, %arg0 : i32
    %mul3A_1 = arith.constant 8 : i32
    %mul3A_2 = arith.muli %add3A, %mul3A_1 : i32
    %add3A_3 = arith.constant 0 : i32
    %add3A_4 = arith.addi %mul3A_2, %add3A_3 : i32
    %mul3A_5 = arith.constant 32 : i32
    %mul3A_6 = arith.muli %add3A_4, %mul3A_5 : i32
    %add3A_7 = arith.constant 0 : i32
    %add3A_8 = arith.addi %mul3A_6, %add3A_7 : i32
    %iota3A = tpu.iota {dimensions = array<i32: 0>} : vector<16xi32>
    %add3A_9 = vector.broadcast %add3A_8 : i32 to vector<16xi32>
    %add3A_10 = arith.addi %add3A_9, %iota3A : vector<16xi32>
    %sub3A = arith.constant 4095 : i32
    %sub3A_11 = vector.broadcast %sub3A : i32 to vector<16xi32>
    %sub3A_12 = arith.subi %add3A_10, %sub3A_11 : vector<16xi32>
    %jit3A = arith.constant -10 : i32
    %jit3A_13 = arith.constant 10 : i32
    %max3A = vector.broadcast %jit3A : i32 to vector<16xi32>
    %max3A_14 = arith.maxsi %max3A, %sub3A_12 : vector<16xi32>
    %min3A = vector.broadcast %jit3A_13 : i32 to vector<16xi32>
    %min3A_15 = arith.minsi %min3A, %max3A_14 : vector<16xi32>
    %add3A_16 = arith.constant 10 : i32
    %add3A_17 = vector.broadcast %add3A_16 : i32 to vector<16xi32>
    %add3A_18 = arith.addi %min3A_15, %add3A_17 : vector<16xi32>
    %swap3A = arith.constant 0 : index
    %swap3A_19 = tpu.vector_load %arg4[%swap3A] {strides = array<i32>} : memref<32xi32, #tpu.memory_space<vmem>>, vector<16xi32>,
    %swap3A_20 = vector.shape_cast %swap3A_19 : vector<16xi32> to vector<16xi32>
    %swap3A_21 = vector.shape_cast %add3A_18 : vector<16xi32> to vector<16xi32>
    tpu.vector_store %arg4[%swap3A], %swap3A_21 {strides = array<i32>} : memref<32xi32, #tpu.memory_space<vmem>>, vector<16xi32>,
    %add3A_22 = arith.constant 0 : i32
    %add3A_23 = arith.addi %mul3A_2, %add3A_22 : i32
    %mul3A_24 = arith.constant 32 : i32
    %mul3A_25 = arith.muli %add3A_23, %mul3A_24 : i32
    %add3A_26 = arith.constant 16 : i32
    %add3A_27 = arith.addi %mul3A_25, %add3A_26 : i32
    %iota3A_28 = tpu.iota {dimensions = array<i32: 0>} : vector<16xi32>
    %add3A_29 = vector.broadcast %add3A_27 : i32 to vector<16xi32>
    %add3A_30 = arith.addi %add3A_29, %iota3A_28 : vector<16xi32>
    %sub3A_31 = arith.constant 4095 : i32
    %sub3A_32 = vector.broadcast %sub3A_31 : i32 to vector<16xi32>
    %sub3A_33 = arith.subi %add3A_30, %sub3A_32 : vector<16xi32>
    %jit3A_34 = arith.constant -10 : i32
    %jit3A_35 = arith.constant 10 : i32
    %max3A_36 = vector.broadcast %jit3A_34 : i32 to vector<16xi32>
    %max3A_37 = arith.maxsi %max3A_36, %sub3A_33 : vector<16xi32>
    %min3A_38 = vector.broadcast %jit3A_35 : i32 to vector<16xi32>
    %min3A_39 = arith.minsi %min3A_38, %max3A_37 : vector<16xi32>
    %add3A_40 = arith.constant 10 : i32
    %add3A_41 = vector.broadcast %add3A_40 : i32 to vector<16xi32>
    %add3A_42 = arith.addi %min3A_39, %add3A_41 : vector<16xi32>
    %swap3A_43 = arith.constant 16 : index
    %swap3A_44 = tpu.vector_load %arg4[%swap3A_43] {strides = array<i32>} : memref<32xi32, #tpu.memory_space<vmem>>, vector<16xi32>,
    %swap3A_45 = vector.shape_cast %swap3A_44 : vector<16xi32> to vector<16xi32>
    %swap3A_46 = vector.shape_cast %add3A_42 : vector<16xi32> to vector<16xi32>
    tpu.vector_store %arg4[%swap3A_43], %swap3A_46 {strides = array<i32>} : memref<32xi32, #tpu.memory_space<vmem>>, vector<16xi32>,
    %add3A_47 = arith.constant 7 : i32
    %add3A_48 = arith.addi %mul3A_2, %add3A_47 : i32
    %mul3A_49 = arith.constant 32 : i32
    %mul3A_50 = arith.muli %add3A_48, %mul3A_49 : i32
    %add3A_51 = arith.constant 0 : i32
    %add3A_52 = arith.addi %mul3A_50, %add3A_51 : i32
    %iota3A_53 = tpu.iota {dimensions = array<i32: 0>} : vector<16xi32>
    %add3A_54 = vector.broadcast %add3A_52 : i32 to vector<16xi32>
    %add3A_55 = arith.addi %add3A_54, %iota3A_53 : vector<16xi32>
    %sub3A_56 = arith.constant 4095 : i32
    %sub3A_57 = vector.broadcast %sub3A_56 : i32 to vector<16xi32>
    %sub3A_58 = arith.subi %add3A_55, %sub3A_57 : vector<16xi32>
    %jit3A_59 = arith.constant -10 : i32
    %jit3A_60 = arith.constant 10 : i32
    %max3A_61 = vector.broadcast %jit3A_59 : i32 to vector<16xi32>
    %max3A_62 = arith.maxsi %max3A_61, %sub3A_58 : vector<16xi32>
    %min3A_63 = vector.broadcast %jit3A_60 : i32 to vector<16xi32>
    %min3A_64 = arith.minsi %min3A_63, %max3A_62 : vector<16xi32>
    %add3A_65 = arith.constant 10 : i32
    %add3A_66 = vector.broadcast %add3A_65 : i32 to vector<16xi32>
    %add3A_67 = arith.addi %min3A_64, %add3A_66 : vector<16xi32>
    %swap3A_68 = arith.constant 0 : index
    %swap3A_69 = tpu.vector_load %arg5[%swap3A_68] {strides = array<i32>} : memref<32xi32, #tpu.memory_space<vmem>>, vector<16xi32>,
    %swap3A_70 = vector.shape_cast %swap3A_69 : vector<16xi32> to vector<16xi32>
    %swap3A_71 = vector.shape_cast %add3A_67 : vector<16xi32> to vector<16xi32>
    tpu.vector_store %arg5[%swap3A_68], %swap3A_71 {strides = array<i32>} : memref<32xi32, #tpu.memory_space<vmem>>, vector<16xi32>,
    %add3A_72 = arith.constant 7 : i32
    %add3A_73 = arith.addi %mul3A_2, %add3A_72 : i32
    %mul3A_74 = arith.constant 32 : i32
    %mul3A_75 = arith.muli %add3A_73, %mul3A_74 : i32
    %add3A_76 = arith.constant 16 : i32
    %add3A_77 = arith.addi %mul3A_75, %add3A_76 : i32
    %iota3A_78 = tpu.iota {dimensions = array<i32: 0>} : vector<16xi32>
    %add3A_79 = vector.broadcast %add3A_77 : i32 to vector<16xi32>
    %add3A_80 = arith.addi %add3A_79, %iota3A_78 : vector<16xi32>
    %sub3A_81 = arith.constant 4095 : i32
    %sub3A_82 = vector.broadcast %sub3A_81 : i32 to vector<16xi32>
    %sub3A_83 = arith.subi %add3A_80, %sub3A_82 : vector<16xi32>
    %jit3A_84 = arith.constant -10 : i32
    %jit3A_85 = arith.constant 10 : i32
    %max3A_86 = vector.broadcast %jit3A_84 : i32 to vector<16xi32>
    %max3A_87 = arith.maxsi %max3A_86, %sub3A_83 : vector<16xi32>
    %min3A_88 = vector.broadcast %jit3A_85 : i32 to vector<16xi32>
    %min3A_89 = arith.minsi %min3A_88, %max3A_87 : vector<16xi32>
    %add3A_90 = arith.constant 10 : i32
    %add3A_91 = vector.broadcast %add3A_90 : i32 to vector<16xi32>
    %add3A_92 = arith.addi %min3A_89, %add3A_91 : vector<16xi32>
    %swap3A_93 = arith.constant 16 : index
    %swap3A_94 = tpu.vector_load %arg5[%swap3A_93] {strides = array<i32>} : memref<32xi32, #tpu.memory_space<vmem>>, vector<16xi32>,
    %swap3A_95 = vector.shape_cast %swap3A_94 : vector<16xi32> to vector<16xi32>
    %swap3A_96 = vector.shape_cast %add3A_92 : vector<16xi32> to vector<16xi32>
    tpu.vector_store %arg5[%swap3A_93], %swap3A_96 {strides = array<i32>} : memref<32xi32, #tpu.memory_space<vmem>>, vector<16xi32>,
    %add3A_97 = arith.constant 7 : i32
    %add3A_98 = arith.addi %mul3A_2, %add3A_97 : i32
    %mul3A_99 = arith.constant 32 : i32
    %mul3A_100 = arith.muli %add3A_98, %mul3A_99 : i32
    %add3A_101 = arith.constant 0 : i32
    %add3A_102 = arith.addi %mul3A_100, %add3A_101 : i32
    %iota3A_103 = tpu.iota {dimensions = array<i32: 0>} : vector<16xi32>
    %add3A_104 = vector.broadcast %add3A_102 : i32 to vector<16xi32>
    %add3A_105 = arith.addi %add3A_104, %iota3A_103 : vector<16xi32>
    %min3A_106 = arith.constant 8190 : i32
    %min3A_107 = vector.broadcast %min3A_106 : i32 to vector<16xi32>
    %min3A_108 = arith.minsi %add3A_105, %min3A_107 : vector<16xi32>
    %swap3A_109 = arith.constant 0 : index
    %swap3A_110 = tpu.vector_load %arg6[%swap3A_109] {strides = array<i32>} : memref<32xi32, #tpu.memory_space<vmem>>, vector<16xi32>,
    %swap3A_111 = vector.shape_cast %swap3A_110 : vector<16xi32> to vector<16xi32>
    %swap3A_112 = vector.shape_cast %min3A_108 : vector<16xi32> to vector<16xi32>
    tpu.vector_store %arg6[%swap3A_109], %swap3A_112 {strides = array<i32>} : memref<32xi32, #tpu.memory_space<vmem>>, vector<16xi32>,
    %add3A_113 = arith.constant 7 : i32
    %add3A_114 = arith.addi %mul3A_2, %add3A_113 : i32
    %mul3A_115 = arith.constant 32 : i32
    %mul3A_116 = arith.muli %add3A_114, %mul3A_115 : i32
    %add3A_117 = arith.constant 16 : i32
    %add3A_118 = arith.addi %mul3A_116, %add3A_117 : i32
    %iota3A_119 = tpu.iota {dimensions = array<i32: 0>} : vector<16xi32>
    %add3A_120 = vector.broadcast %add3A_118 : i32 to vector<16xi32>
    %add3A_121 = arith.addi %add3A_120, %iota3A_119 : vector<16xi32>
    %min3A_122 = arith.constant 8190 : i32
    %min3A_123 = vector.broadcast %min3A_122 : i32 to vector<16xi32>
    %min3A_124 = arith.minsi %add3A_121, %min3A_123 : vector<16xi32>
    %swap3A_125 = arith.constant 16 : index
    %swap3A_126 = tpu.vector_load %arg6[%swap3A_125] {strides = array<i32>} : memref<32xi32, #tpu.memory_space<vmem>>, vector<16xi32>,
    %swap3A_127 = vector.shape_cast %swap3A_126 : vector<16xi32> to vector<16xi32>
    %swap3A_128 = vector.shape_cast %min3A_124 : vector<16xi32> to vector<16xi32>
    tpu.vector_store %arg6[%swap3A_125], %swap3A_128 {strides = array<i32>} : memref<32xi32, #tpu.memory_space<vmem>>, vector<16xi32>,
    %dma_start3A = arith.constant 0 : i32
    %dma_start3A_129 = arith.constant 0 : i32
    %dma_start3A_130 = tpu.memref_slice %arg2[%dma_start3A, %dma_start3A_129] : memref<21x1024xf32, #tpu.memory_space<hbm>> -> memref<21x1024xf32, #tpu.memory_space<hbm>>
    tpu.enqueue_indirect_dma source(%dma_start3A_130 : memref<21x1024xf32, #tpu.memory_space<hbm>>) target(%arg7 : memref<32x1024xf32, #tpu.memory_space<vmem>>) offsets(%arg4 : memref<32xi32, #tpu.memory_space<vmem>>) semaphore(%arg9 : memref<!tpu.dma_semaphore, #tpu.memory_space<semaphore_mem>>)
    %dma_start3A_131 = arith.constant 0 : i32
    %dma_start3A_132 = arith.constant 0 : i32
    %dma_start3A_133 = tpu.memref_slice %arg2[%dma_start3A_131, %dma_start3A_132] : memref<21x1024xf32, #tpu.memory_space<hbm>> -> memref<21x1024xf32, #tpu.memory_space<hbm>>
    tpu.enqueue_indirect_dma source(%dma_start3A_133 : memref<21x1024xf32, #tpu.memory_space<hbm>>) target(%arg8 : memref<32x1024xf32, #tpu.memory_space<vmem>>) offsets(%arg5 : memref<32xi32, #tpu.memory_space<vmem>>) semaphore(%arg9 : memref<!tpu.dma_semaphore, #tpu.memory_space<semaphore_mem>>)
    %dma_wait3A = arith.constant 0 : i32
    %dma_wait3A_134 = arith.constant 0 : i32
    %dma_wait3A_135 = tpu.memref_slice %arg2[%dma_wait3A, %dma_wait3A_134] : memref<21x1024xf32, #tpu.memory_space<hbm>> -> memref<21x1024xf32, #tpu.memory_space<hbm>>
    tpu.wait_indirect_dma semaphore(%arg9 : memref<!tpu.dma_semaphore, #tpu.memory_space<semaphore_mem>>) src(%dma_wait3A_135 : memref<21x1024xf32, #tpu.memory_space<hbm>>) dst(%arg7 : memref<32x1024xf32, #tpu.memory_space<vmem>>)
    %dma_wait3A_136 = arith.constant 0 : i32
    %dma_wait3A_137 = arith.constant 0 : i32
    %dma_wait3A_138 = tpu.memref_slice %arg2[%dma_wait3A_136, %dma_wait3A_137] : memref<21x1024xf32, #tpu.memory_space<hbm>> -> memref<21x1024xf32, #tpu.memory_space<hbm>>
    tpu.wait_indirect_dma semaphore(%arg9 : memref<!tpu.dma_semaphore, #tpu.memory_space<semaphore_mem>>) src(%dma_wait3A_138 : memref<21x1024xf32, #tpu.memory_space<hbm>>) dst(%arg8 : memref<32x1024xf32, #tpu.memory_space<vmem>>)
    %add3A_139 = arith.constant 0 : i32
    %add3A_140 = arith.addi %mul3A_2, %add3A_139 : i32
    %mul3A_141 = arith.constant 32 : i32
    %mul3A_142 = arith.muli %add3A_140, %mul3A_141 : i32
    %multiple_of3A = tpu.assume_multiple %mul3A_142, 32 : i32
    %dma_start3A_143 = arith.constant 0 : i32
    %dma_start3A_144 = tpu.memref_slice %arg3[%multiple_of3A, %dma_start3A_143] : memref<8191x1024xf32, #tpu.memory_space<hbm>> -> memref<32x1024xf32, #tpu.memory_space<hbm>>
    %dma_start3A_145 = arith.constant 0 : i32
    %dma_start3A_146 = tpu.memref_slice %arg3[%multiple_of3A, %dma_start3A_145] : memref<8191x1024xf32, #tpu.memory_space<hbm>> -> memref<32x1024xf32, #tpu.memory_space<hbm>>
    tpu.enqueue_dma source(%arg7 : memref<32x1024xf32, #tpu.memory_space<vmem>>) target(%dma_start3A_146 : memref<32x1024xf32, #tpu.memory_space<hbm>>) target_semaphore(%arg10 : memref<!tpu.dma_semaphore, #tpu.memory_space<semaphore_mem>>)
    %add3A_147 = arith.constant 1 : i32
    %add3A_148 = arith.addi %mul3A_2, %add3A_147 : i32
    %mul3A_149 = arith.constant 32 : i32
    %mul3A_150 = arith.muli %add3A_148, %mul3A_149 : i32
    %add3A_151 = arith.constant 32 : i32
    %add3A_152 = arith.addi %mul3A_150, %add3A_151 : i32
    %sub3A_153 = arith.constant 1 : i32
    %sub3A_154 = arith.subi %add3A_152, %sub3A_153 : i32
    %le3A = arith.constant 4085 : i32
    %le3A_155 = arith.cmpi sle, %sub3A_154, %le3A : i32
    %add3A_156 = arith.constant 0 : i32
    %add3A_157 = arith.addi %mul3A_2, %add3A_156 : i32
    %mul3A_158 = arith.constant 32 : i32
    %mul3A_159 = arith.muli %add3A_157, %mul3A_158 : i32
    %add3A_160 = arith.constant 32 : i32
    %add3A_161 = arith.addi %mul3A_159, %add3A_160 : i32
    %sub3A_162 = arith.constant 1 : i32
    %sub3A_163 = arith.subi %add3A_161, %sub3A_162 : i32
    %le3A_164 = arith.constant 4085 : i32
    %le3A_165 = arith.cmpi sle, %sub3A_163, %le3A_164 : i32
    %and3A = arith.andi %le3A_155, %le3A_165 : i1
    %add3A_166 = arith.constant 1 : i32
    %add3A_167 = arith.addi %mul3A_2, %add3A_166 : i32
    %mul3A_168 = arith.constant 32 : i32
    %mul3A_169 = arith.muli %add3A_167, %mul3A_168 : i32
    %ge3A = arith.constant 4105 : i32
    %ge3A_170 = arith.cmpi sge, %mul3A_169, %ge3A : i32
    %add3A_171 = arith.constant 0 : i32
    %add3A_172 = arith.addi %mul3A_2, %add3A_171 : i32
    %mul3A_173 = arith.constant 32 : i32
    %mul3A_174 = arith.muli %add3A_172, %mul3A_173 : i32
    %ge3A_175 = arith.constant 4105 : i32
    %ge3A_176 = arith.cmpi sge, %mul3A_174, %ge3A_175 : i32
    %and3A_177 = arith.andi %ge3A_170, %ge3A_176 : i1
    %or3A = arith.ori %and3A, %and3A_177 : i1
    %convert_element_type3A = arith.extui %or3A : i1 to i32
    %cond3A = arith.constant 0 : i32
    %cond3A_178 = arith.cmpi ne, %convert_element_type3A, %cond3A : i32
    scf.if %cond3A_178 {
      %add3A_467 = arith.constant 1 : i32
      %add3A_468 = arith.addi %mul3A_2, %add3A_467 : i32
      %mul3A_469 = arith.constant 32 : i32
      %mul3A_470 = arith.muli %add3A_468, %mul3A_469 : i32
      %multiple_of3A_471 = tpu.assume_multiple %mul3A_470, 32 : i32
      %dma_start3A_472 = arith.constant 0 : i32
      %dma_start3A_473 = tpu.memref_slice %arg3[%multiple_of3A_471, %dma_start3A_472] : memref<8191x1024xf32, #tpu.memory_space<hbm>> -> memref<32x1024xf32, #tpu.memory_space<hbm>>
      %dma_start3A_474 = arith.constant 0 : i32
      %dma_start3A_475 = tpu.memref_slice %arg3[%multiple_of3A_471, %dma_start3A_474] : memref<8191x1024xf32, #tpu.memory_space<hbm>> -> memref<32x1024xf32, #tpu.memory_space<hbm>>
      tpu.enqueue_dma source(%arg7 : memref<32x1024xf32, #tpu.memory_space<vmem>>) target(%dma_start3A_475 : memref<32x1024xf32, #tpu.memory_space<hbm>>) target_semaphore(%arg10 : memref<!tpu.dma_semaphore, #tpu.memory_space<semaphore_mem>>)
    } else {
    }
    %not3A = arith.constant true
    %not3A_179 = arith.xori %or3A, %not3A : i1
    %convert_element_type3A_180 = arith.extui %not3A_179 : i1 to i32
    %cond3A_181 = arith.constant 0 : i32
    %cond3A_182 = arith.cmpi ne, %convert_element_type3A_180, %cond3A_181 : i32
    scf.if %cond3A_182 {
      %add3A_467 = arith.constant 1 : i32
      %add3A_468 = arith.addi %mul3A_2, %add3A_467 : i32
      %mul3A_469 = arith.constant 32 : i32
      %mul3A_470 = arith.muli %add3A_468, %mul3A_469 : i32
      %multiple_of3A_471 = tpu.assume_multiple %mul3A_470, 32 : i32
      %dma_start3A_472 = arith.constant 0 : i32
      %dma_start3A_473 = tpu.memref_slice %arg3[%multiple_of3A_471, %dma_start3A_472] : memref<8191x1024xf32, #tpu.memory_space<hbm>> -> memref<32x1024xf32, #tpu.memory_space<hbm>>
      %dma_start3A_474 = arith.constant 0 : i32
      %dma_start3A_475 = tpu.memref_slice %arg3[%multiple_of3A_471, %dma_start3A_474] : memref<8191x1024xf32, #tpu.memory_space<hbm>> -> memref<32x1024xf32, #tpu.memory_space<hbm>>
      tpu.enqueue_dma source(%arg8 : memref<32x1024xf32, #tpu.memory_space<vmem>>) target(%dma_start3A_475 : memref<32x1024xf32, #tpu.memory_space<hbm>>) target_semaphore(%arg10 : memref<!tpu.dma_semaphore, #tpu.memory_space<semaphore_mem>>)
    } else {
    }
    %add3A_183 = arith.constant 2 : i32
    %add3A_184 = arith.addi %mul3A_2, %add3A_183 : i32
    %mul3A_185 = arith.constant 32 : i32
    %mul3A_186 = arith.muli %add3A_184, %mul3A_185 : i32
    %add3A_187 = arith.constant 32 : i32
    %add3A_188 = arith.addi %mul3A_186, %add3A_187 : i32
    %sub3A_189 = arith.constant 1 : i32
    %sub3A_190 = arith.subi %add3A_188, %sub3A_189 : i32
    %le3A_191 = arith.constant 4085 : i32
    %le3A_192 = arith.cmpi sle, %sub3A_190, %le3A_191 : i32
    %add3A_193 = arith.constant 0 : i32
    %add3A_194 = arith.addi %mul3A_2, %add3A_193 : i32
    %mul3A_195 = arith.constant 32 : i32
    %mul3A_196 = arith.muli %add3A_194, %mul3A_195 : i32
    %add3A_197 = arith.constant 32 : i32
    %add3A_198 = arith.addi %mul3A_196, %add3A_197 : i32
    %sub3A_199 = arith.constant 1 : i32
    %sub3A_200 = arith.subi %add3A_198, %sub3A_199 : i32
    %le3A_201 = arith.constant 4085 : i32
    %le3A_202 = arith.cmpi sle, %sub3A_200, %le3A_201 : i32
    %and3A_203 = arith.andi %le3A_192, %le3A_202 : i1
    %add3A_204 = arith.constant 2 : i32
    %add3A_205 = arith.addi %mul3A_2, %add3A_204 : i32
    %mul3A_206 = arith.constant 32 : i32
    %mul3A_207 = arith.muli %add3A_205, %mul3A_206 : i32
    %ge3A_208 = arith.constant 4105 : i32
    %ge3A_209 = arith.cmpi sge, %mul3A_207, %ge3A_208 : i32
    %add3A_210 = arith.constant 0 : i32
    %add3A_211 = arith.addi %mul3A_2, %add3A_210 : i32
    %mul3A_212 = arith.constant 32 : i32
    %mul3A_213 = arith.muli %add3A_211, %mul3A_212 : i32
    %ge3A_214 = arith.constant 4105 : i32
    %ge3A_215 = arith.cmpi sge, %mul3A_213, %ge3A_214 : i32
    %and3A_216 = arith.andi %ge3A_209, %ge3A_215 : i1
    %or3A_217 = arith.ori %and3A_203, %and3A_216 : i1
    %convert_element_type3A_218 = arith.extui %or3A_217 : i1 to i32
    %cond3A_219 = arith.constant 0 : i32
    %cond3A_220 = arith.cmpi ne, %convert_element_type3A_218, %cond3A_219 : i32
    scf.if %cond3A_220 {
      %add3A_467 = arith.constant 2 : i32
      %add3A_468 = arith.addi %mul3A_2, %add3A_467 : i32
      %mul3A_469 = arith.constant 32 : i32
      %mul3A_470 = arith.muli %add3A_468, %mul3A_469 : i32
      %multiple_of3A_471 = tpu.assume_multiple %mul3A_470, 32 : i32
      %dma_start3A_472 = arith.constant 0 : i32
      %dma_start3A_473 = tpu.memref_slice %arg3[%multiple_of3A_471, %dma_start3A_472] : memref<8191x1024xf32, #tpu.memory_space<hbm>> -> memref<32x1024xf32, #tpu.memory_space<hbm>>
      %dma_start3A_474 = arith.constant 0 : i32
      %dma_start3A_475 = tpu.memref_slice %arg3[%multiple_of3A_471, %dma_start3A_474] : memref<8191x1024xf32, #tpu.memory_space<hbm>> -> memref<32x1024xf32, #tpu.memory_space<hbm>>
      tpu.enqueue_dma source(%arg7 : memref<32x1024xf32, #tpu.memory_space<vmem>>) target(%dma_start3A_475 : memref<32x1024xf32, #tpu.memory_space<hbm>>) target_semaphore(%arg10 : memref<!tpu.dma_semaphore, #tpu.memory_space<semaphore_mem>>)
    } else {
    }
    %not3A_221 = arith.constant true
    %not3A_222 = arith.xori %or3A_217, %not3A_221 : i1
    %convert_element_type3A_223 = arith.extui %not3A_222 : i1 to i32
    %cond3A_224 = arith.constant 0 : i32
    %cond3A_225 = arith.cmpi ne, %convert_element_type3A_223, %cond3A_224 : i32
    scf.if %cond3A_225 {
      %add3A_467 = arith.constant 2 : i32
      %add3A_468 = arith.addi %mul3A_2, %add3A_467 : i32
      %mul3A_469 = arith.constant 32 : i32
      %mul3A_470 = arith.muli %add3A_468, %mul3A_469 : i32
      %multiple_of3A_471 = tpu.assume_multiple %mul3A_470, 32 : i32
      %dma_start3A_472 = arith.constant 0 : i32
      %dma_start3A_473 = tpu.memref_slice %arg3[%multiple_of3A_471, %dma_start3A_472] : memref<8191x1024xf32, #tpu.memory_space<hbm>> -> memref<32x1024xf32, #tpu.memory_space<hbm>>
      %dma_start3A_474 = arith.constant 0 : i32
      %dma_start3A_475 = tpu.memref_slice %arg3[%multiple_of3A_471, %dma_start3A_474] : memref<8191x1024xf32, #tpu.memory_space<hbm>> -> memref<32x1024xf32, #tpu.memory_space<hbm>>
      tpu.enqueue_dma source(%arg8 : memref<32x1024xf32, #tpu.memory_space<vmem>>) target(%dma_start3A_475 : memref<32x1024xf32, #tpu.memory_space<hbm>>) target_semaphore(%arg10 : memref<!tpu.dma_semaphore, #tpu.memory_space<semaphore_mem>>)
    } else {
    }
    %add3A_226 = arith.constant 3 : i32
    %add3A_227 = arith.addi %mul3A_2, %add3A_226 : i32
    %mul3A_228 = arith.constant 32 : i32
    %mul3A_229 = arith.muli %add3A_227, %mul3A_228 : i32
    %add3A_230 = arith.constant 32 : i32
    %add3A_231 = arith.addi %mul3A_229, %add3A_230 : i32
    %sub3A_232 = arith.constant 1 : i32
    %sub3A_233 = arith.subi %add3A_231, %sub3A_232 : i32
    %le3A_234 = arith.constant 4085 : i32
    %le3A_235 = arith.cmpi sle, %sub3A_233, %le3A_234 : i32
    %add3A_236 = arith.constant 0 : i32
    %add3A_237 = arith.addi %mul3A_2, %add3A_236 : i32
    %mul3A_238 = arith.constant 32 : i32
    %mul3A_239 = arith.muli %add3A_237, %mul3A_238 : i32
    %add3A_240 = arith.constant 32 : i32
    %add3A_241 = arith.addi %mul3A_239, %add3A_240 : i32
    %sub3A_242 = arith.constant 1 : i32
    %sub3A_243 = arith.subi %add3A_241, %sub3A_242 : i32
    %le3A_244 = arith.constant 4085 : i32
    %le3A_245 = arith.cmpi sle, %sub3A_243, %le3A_244 : i32
    %and3A_246 = arith.andi %le3A_235, %le3A_245 : i1
    %add3A_247 = arith.constant 3 : i32
    %add3A_248 = arith.addi %mul3A_2, %add3A_247 : i32
    %mul3A_249 = arith.constant 32 : i32
    %mul3A_250 = arith.muli %add3A_248, %mul3A_249 : i32
    %ge3A_251 = arith.constant 4105 : i32
    %ge3A_252 = arith.cmpi sge, %mul3A_250, %ge3A_251 : i32
    %add3A_253 = arith.constant 0 : i32
    %add3A_254 = arith.addi %mul3A_2, %add3A_253 : i32
    %mul3A_255 = arith.constant 32 : i32
    %mul3A_256 = arith.muli %add3A_254, %mul3A_255 : i32
    %ge3A_257 = arith.constant 4105 : i32
    %ge3A_258 = arith.cmpi sge, %mul3A_256, %ge3A_257 : i32
    %and3A_259 = arith.andi %ge3A_252, %ge3A_258 : i1
    %or3A_260 = arith.ori %and3A_246, %and3A_259 : i1
    %convert_element_type3A_261 = arith.extui %or3A_260 : i1 to i32
    %cond3A_262 = arith.constant 0 : i32
    %cond3A_263 = arith.cmpi ne, %convert_element_type3A_261, %cond3A_262 : i32
    scf.if %cond3A_263 {
      %add3A_467 = arith.constant 3 : i32
      %add3A_468 = arith.addi %mul3A_2, %add3A_467 : i32
      %mul3A_469 = arith.constant 32 : i32
      %mul3A_470 = arith.muli %add3A_468, %mul3A_469 : i32
      %multiple_of3A_471 = tpu.assume_multiple %mul3A_470, 32 : i32
      %dma_start3A_472 = arith.constant 0 : i32
      %dma_start3A_473 = tpu.memref_slice %arg3[%multiple_of3A_471, %dma_start3A_472] : memref<8191x1024xf32, #tpu.memory_space<hbm>> -> memref<32x1024xf32, #tpu.memory_space<hbm>>
      %dma_start3A_474 = arith.constant 0 : i32
      %dma_start3A_475 = tpu.memref_slice %arg3[%multiple_of3A_471, %dma_start3A_474] : memref<8191x1024xf32, #tpu.memory_space<hbm>> -> memref<32x1024xf32, #tpu.memory_space<hbm>>
      tpu.enqueue_dma source(%arg7 : memref<32x1024xf32, #tpu.memory_space<vmem>>) target(%dma_start3A_475 : memref<32x1024xf32, #tpu.memory_space<hbm>>) target_semaphore(%arg10 : memref<!tpu.dma_semaphore, #tpu.memory_space<semaphore_mem>>)
    } else {
    }
    %not3A_264 = arith.constant true
    %not3A_265 = arith.xori %or3A_260, %not3A_264 : i1
    %convert_element_type3A_266 = arith.extui %not3A_265 : i1 to i32
    %cond3A_267 = arith.constant 0 : i32
    %cond3A_268 = arith.cmpi ne, %convert_element_type3A_266, %cond3A_267 : i32
    scf.if %cond3A_268 {
      %add3A_467 = arith.constant 3 : i32
      %add3A_468 = arith.addi %mul3A_2, %add3A_467 : i32
      %mul3A_469 = arith.constant 32 : i32
      %mul3A_470 = arith.muli %add3A_468, %mul3A_469 : i32
      %multiple_of3A_471 = tpu.assume_multiple %mul3A_470, 32 : i32
      %dma_start3A_472 = arith.constant 0 : i32
      %dma_start3A_473 = tpu.memref_slice %arg3[%multiple_of3A_471, %dma_start3A_472] : memref<8191x1024xf32, #tpu.memory_space<hbm>> -> memref<32x1024xf32, #tpu.memory_space<hbm>>
      %dma_start3A_474 = arith.constant 0 : i32
      %dma_start3A_475 = tpu.memref_slice %arg3[%multiple_of3A_471, %dma_start3A_474] : memref<8191x1024xf32, #tpu.memory_space<hbm>> -> memref<32x1024xf32, #tpu.memory_space<hbm>>
      tpu.enqueue_dma source(%arg8 : memref<32x1024xf32, #tpu.memory_space<vmem>>) target(%dma_start3A_475 : memref<32x1024xf32, #tpu.memory_space<hbm>>) target_semaphore(%arg10 : memref<!tpu.dma_semaphore, #tpu.memory_space<semaphore_mem>>)
    } else {
    }
    %add3A_269 = arith.constant 4 : i32
    %add3A_270 = arith.addi %mul3A_2, %add3A_269 : i32
    %mul3A_271 = arith.constant 32 : i32
    %mul3A_272 = arith.muli %add3A_270, %mul3A_271 : i32
    %add3A_273 = arith.constant 32 : i32
    %add3A_274 = arith.addi %mul3A_272, %add3A_273 : i32
    %sub3A_275 = arith.constant 1 : i32
    %sub3A_276 = arith.subi %add3A_274, %sub3A_275 : i32
    %le3A_277 = arith.constant 4085 : i32
    %le3A_278 = arith.cmpi sle, %sub3A_276, %le3A_277 : i32
    %add3A_279 = arith.constant 0 : i32
    %add3A_280 = arith.addi %mul3A_2, %add3A_279 : i32
    %mul3A_281 = arith.constant 32 : i32
    %mul3A_282 = arith.muli %add3A_280, %mul3A_281 : i32
    %add3A_283 = arith.constant 32 : i32
    %add3A_284 = arith.addi %mul3A_282, %add3A_283 : i32
    %sub3A_285 = arith.constant 1 : i32
    %sub3A_286 = arith.subi %add3A_284, %sub3A_285 : i32
    %le3A_287 = arith.constant 4085 : i32
    %le3A_288 = arith.cmpi sle, %sub3A_286, %le3A_287 : i32
    %and3A_289 = arith.andi %le3A_278, %le3A_288 : i1
    %add3A_290 = arith.constant 4 : i32
    %add3A_291 = arith.addi %mul3A_2, %add3A_290 : i32
    %mul3A_292 = arith.constant 32 : i32
    %mul3A_293 = arith.muli %add3A_291, %mul3A_292 : i32
    %ge3A_294 = arith.constant 4105 : i32
    %ge3A_295 = arith.cmpi sge, %mul3A_293, %ge3A_294 : i32
    %add3A_296 = arith.constant 0 : i32
    %add3A_297 = arith.addi %mul3A_2, %add3A_296 : i32
    %mul3A_298 = arith.constant 32 : i32
    %mul3A_299 = arith.muli %add3A_297, %mul3A_298 : i32
    %ge3A_300 = arith.constant 4105 : i32
    %ge3A_301 = arith.cmpi sge, %mul3A_299, %ge3A_300 : i32
    %and3A_302 = arith.andi %ge3A_295, %ge3A_301 : i1
    %or3A_303 = arith.ori %and3A_289, %and3A_302 : i1
    %convert_element_type3A_304 = arith.extui %or3A_303 : i1 to i32
    %cond3A_305 = arith.constant 0 : i32
    %cond3A_306 = arith.cmpi ne, %convert_element_type3A_304, %cond3A_305 : i32
    scf.if %cond3A_306 {
      %add3A_467 = arith.constant 4 : i32
      %add3A_468 = arith.addi %mul3A_2, %add3A_467 : i32
      %mul3A_469 = arith.constant 32 : i32
      %mul3A_470 = arith.muli %add3A_468, %mul3A_469 : i32
      %multiple_of3A_471 = tpu.assume_multiple %mul3A_470, 32 : i32
      %dma_start3A_472 = arith.constant 0 : i32
      %dma_start3A_473 = tpu.memref_slice %arg3[%multiple_of3A_471, %dma_start3A_472] : memref<8191x1024xf32, #tpu.memory_space<hbm>> -> memref<32x1024xf32, #tpu.memory_space<hbm>>
      %dma_start3A_474 = arith.constant 0 : i32
      %dma_start3A_475 = tpu.memref_slice %arg3[%multiple_of3A_471, %dma_start3A_474] : memref<8191x1024xf32, #tpu.memory_space<hbm>> -> memref<32x1024xf32, #tpu.memory_space<hbm>>
      tpu.enqueue_dma source(%arg7 : memref<32x1024xf32, #tpu.memory_space<vmem>>) target(%dma_start3A_475 : memref<32x1024xf32, #tpu.memory_space<hbm>>) target_semaphore(%arg10 : memref<!tpu.dma_semaphore, #tpu.memory_space<semaphore_mem>>)
    } else {
    }
    %not3A_307 = arith.constant true
    %not3A_308 = arith.xori %or3A_303, %not3A_307 : i1
    %convert_element_type3A_309 = arith.extui %not3A_308 : i1 to i32
    %cond3A_310 = arith.constant 0 : i32
    %cond3A_311 = arith.cmpi ne, %convert_element_type3A_309, %cond3A_310 : i32
    scf.if %cond3A_311 {
      %add3A_467 = arith.constant 4 : i32
      %add3A_468 = arith.addi %mul3A_2, %add3A_467 : i32
      %mul3A_469 = arith.constant 32 : i32
      %mul3A_470 = arith.muli %add3A_468, %mul3A_469 : i32
      %multiple_of3A_471 = tpu.assume_multiple %mul3A_470, 32 : i32
      %dma_start3A_472 = arith.constant 0 : i32
      %dma_start3A_473 = tpu.memref_slice %arg3[%multiple_of3A_471, %dma_start3A_472] : memref<8191x1024xf32, #tpu.memory_space<hbm>> -> memref<32x1024xf32, #tpu.memory_space<hbm>>
      %dma_start3A_474 = arith.constant 0 : i32
      %dma_start3A_475 = tpu.memref_slice %arg3[%multiple_of3A_471, %dma_start3A_474] : memref<8191x1024xf32, #tpu.memory_space<hbm>> -> memref<32x1024xf32, #tpu.memory_space<hbm>>
      tpu.enqueue_dma source(%arg8 : memref<32x1024xf32, #tpu.memory_space<vmem>>) target(%dma_start3A_475 : memref<32x1024xf32, #tpu.memory_space<hbm>>) target_semaphore(%arg10 : memref<!tpu.dma_semaphore, #tpu.memory_space<semaphore_mem>>)
    } else {
    }
    %add3A_312 = arith.constant 5 : i32
    %add3A_313 = arith.addi %mul3A_2, %add3A_312 : i32
    %mul3A_314 = arith.constant 32 : i32
    %mul3A_315 = arith.muli %add3A_313, %mul3A_314 : i32
    %add3A_316 = arith.constant 32 : i32
    %add3A_317 = arith.addi %mul3A_315, %add3A_316 : i32
    %sub3A_318 = arith.constant 1 : i32
    %sub3A_319 = arith.subi %add3A_317, %sub3A_318 : i32
    %le3A_320 = arith.constant 4085 : i32
    %le3A_321 = arith.cmpi sle, %sub3A_319, %le3A_320 : i32
    %add3A_322 = arith.constant 0 : i32
    %add3A_323 = arith.addi %mul3A_2, %add3A_322 : i32
    %mul3A_324 = arith.constant 32 : i32
    %mul3A_325 = arith.muli %add3A_323, %mul3A_324 : i32
    %add3A_326 = arith.constant 32 : i32
    %add3A_327 = arith.addi %mul3A_325, %add3A_326 : i32
    %sub3A_328 = arith.constant 1 : i32
    %sub3A_329 = arith.subi %add3A_327, %sub3A_328 : i32
    %le3A_330 = arith.constant 4085 : i32
    %le3A_331 = arith.cmpi sle, %sub3A_329, %le3A_330 : i32
    %and3A_332 = arith.andi %le3A_321, %le3A_331 : i1
    %add3A_333 = arith.constant 5 : i32
    %add3A_334 = arith.addi %mul3A_2, %add3A_333 : i32
    %mul3A_335 = arith.constant 32 : i32
    %mul3A_336 = arith.muli %add3A_334, %mul3A_335 : i32
    %ge3A_337 = arith.constant 4105 : i32
    %ge3A_338 = arith.cmpi sge, %mul3A_336, %ge3A_337 : i32
    %add3A_339 = arith.constant 0 : i32
    %add3A_340 = arith.addi %mul3A_2, %add3A_339 : i32
    %mul3A_341 = arith.constant 32 : i32
    %mul3A_342 = arith.muli %add3A_340, %mul3A_341 : i32
    %ge3A_343 = arith.constant 4105 : i32
    %ge3A_344 = arith.cmpi sge, %mul3A_342, %ge3A_343 : i32
    %and3A_345 = arith.andi %ge3A_338, %ge3A_344 : i1
    %or3A_346 = arith.ori %and3A_332, %and3A_345 : i1
    %convert_element_type3A_347 = arith.extui %or3A_346 : i1 to i32
    %cond3A_348 = arith.constant 0 : i32
    %cond3A_349 = arith.cmpi ne, %convert_element_type3A_347, %cond3A_348 : i32
    scf.if %cond3A_349 {
      %add3A_467 = arith.constant 5 : i32
      %add3A_468 = arith.addi %mul3A_2, %add3A_467 : i32
      %mul3A_469 = arith.constant 32 : i32
      %mul3A_470 = arith.muli %add3A_468, %mul3A_469 : i32
      %multiple_of3A_471 = tpu.assume_multiple %mul3A_470, 32 : i32
      %dma_start3A_472 = arith.constant 0 : i32
      %dma_start3A_473 = tpu.memref_slice %arg3[%multiple_of3A_471, %dma_start3A_472] : memref<8191x1024xf32, #tpu.memory_space<hbm>> -> memref<32x1024xf32, #tpu.memory_space<hbm>>
      %dma_start3A_474 = arith.constant 0 : i32
      %dma_start3A_475 = tpu.memref_slice %arg3[%multiple_of3A_471, %dma_start3A_474] : memref<8191x1024xf32, #tpu.memory_space<hbm>> -> memref<32x1024xf32, #tpu.memory_space<hbm>>
      tpu.enqueue_dma source(%arg7 : memref<32x1024xf32, #tpu.memory_space<vmem>>) target(%dma_start3A_475 : memref<32x1024xf32, #tpu.memory_space<hbm>>) target_semaphore(%arg10 : memref<!tpu.dma_semaphore, #tpu.memory_space<semaphore_mem>>)
    } else {
    }
    %not3A_350 = arith.constant true
    %not3A_351 = arith.xori %or3A_346, %not3A_350 : i1
    %convert_element_type3A_352 = arith.extui %not3A_351 : i1 to i32
    %cond3A_353 = arith.constant 0 : i32
    %cond3A_354 = arith.cmpi ne, %convert_element_type3A_352, %cond3A_353 : i32
    scf.if %cond3A_354 {
      %add3A_467 = arith.constant 5 : i32
      %add3A_468 = arith.addi %mul3A_2, %add3A_467 : i32
      %mul3A_469 = arith.constant 32 : i32
      %mul3A_470 = arith.muli %add3A_468, %mul3A_469 : i32
      %multiple_of3A_471 = tpu.assume_multiple %mul3A_470, 32 : i32
      %dma_start3A_472 = arith.constant 0 : i32
      %dma_start3A_473 = tpu.memref_slice %arg3[%multiple_of3A_471, %dma_start3A_472] : memref<8191x1024xf32, #tpu.memory_space<hbm>> -> memref<32x1024xf32, #tpu.memory_space<hbm>>
      %dma_start3A_474 = arith.constant 0 : i32
      %dma_start3A_475 = tpu.memref_slice %arg3[%multiple_of3A_471, %dma_start3A_474] : memref<8191x1024xf32, #tpu.memory_space<hbm>> -> memref<32x1024xf32, #tpu.memory_space<hbm>>
      tpu.enqueue_dma source(%arg8 : memref<32x1024xf32, #tpu.memory_space<vmem>>) target(%dma_start3A_475 : memref<32x1024xf32, #tpu.memory_space<hbm>>) target_semaphore(%arg10 : memref<!tpu.dma_semaphore, #tpu.memory_space<semaphore_mem>>)
    } else {
    }
    %add3A_355 = arith.constant 6 : i32
    %add3A_356 = arith.addi %mul3A_2, %add3A_355 : i32
    %mul3A_357 = arith.constant 32 : i32
    %mul3A_358 = arith.muli %add3A_356, %mul3A_357 : i32
    %add3A_359 = arith.constant 32 : i32
    %add3A_360 = arith.addi %mul3A_358, %add3A_359 : i32
    %sub3A_361 = arith.constant 1 : i32
    %sub3A_362 = arith.subi %add3A_360, %sub3A_361 : i32
    %le3A_363 = arith.constant 4085 : i32
    %le3A_364 = arith.cmpi sle, %sub3A_362, %le3A_363 : i32
    %add3A_365 = arith.constant 0 : i32
    %add3A_366 = arith.addi %mul3A_2, %add3A_365 : i32
    %mul3A_367 = arith.constant 32 : i32
    %mul3A_368 = arith.muli %add3A_366, %mul3A_367 : i32
    %add3A_369 = arith.constant 32 : i32
    %add3A_370 = arith.addi %mul3A_368, %add3A_369 : i32
    %sub3A_371 = arith.constant 1 : i32
    %sub3A_372 = arith.subi %add3A_370, %sub3A_371 : i32
    %le3A_373 = arith.constant 4085 : i32
    %le3A_374 = arith.cmpi sle, %sub3A_372, %le3A_373 : i32
    %and3A_375 = arith.andi %le3A_364, %le3A_374 : i1
    %add3A_376 = arith.constant 6 : i32
    %add3A_377 = arith.addi %mul3A_2, %add3A_376 : i32
    %mul3A_378 = arith.constant 32 : i32
    %mul3A_379 = arith.muli %add3A_377, %mul3A_378 : i32
    %ge3A_380 = arith.constant 4105 : i32
    %ge3A_381 = arith.cmpi sge, %mul3A_379, %ge3A_380 : i32
    %add3A_382 = arith.constant 0 : i32
    %add3A_383 = arith.addi %mul3A_2, %add3A_382 : i32
    %mul3A_384 = arith.constant 32 : i32
    %mul3A_385 = arith.muli %add3A_383, %mul3A_384 : i32
    %ge3A_386 = arith.constant 4105 : i32
    %ge3A_387 = arith.cmpi sge, %mul3A_385, %ge3A_386 : i32
    %and3A_388 = arith.andi %ge3A_381, %ge3A_387 : i1
    %or3A_389 = arith.ori %and3A_375, %and3A_388 : i1
    %convert_element_type3A_390 = arith.extui %or3A_389 : i1 to i32
    %cond3A_391 = arith.constant 0 : i32
    %cond3A_392 = arith.cmpi ne, %convert_element_type3A_390, %cond3A_391 : i32
    scf.if %cond3A_392 {
      %add3A_467 = arith.constant 6 : i32
      %add3A_468 = arith.addi %mul3A_2, %add3A_467 : i32
      %mul3A_469 = arith.constant 32 : i32
      %mul3A_470 = arith.muli %add3A_468, %mul3A_469 : i32
      %multiple_of3A_471 = tpu.assume_multiple %mul3A_470, 32 : i32
      %dma_start3A_472 = arith.constant 0 : i32
      %dma_start3A_473 = tpu.memref_slice %arg3[%multiple_of3A_471, %dma_start3A_472] : memref<8191x1024xf32, #tpu.memory_space<hbm>> -> memref<32x1024xf32, #tpu.memory_space<hbm>>
      %dma_start3A_474 = arith.constant 0 : i32
      %dma_start3A_475 = tpu.memref_slice %arg3[%multiple_of3A_471, %dma_start3A_474] : memref<8191x1024xf32, #tpu.memory_space<hbm>> -> memref<32x1024xf32, #tpu.memory_space<hbm>>
      tpu.enqueue_dma source(%arg7 : memref<32x1024xf32, #tpu.memory_space<vmem>>) target(%dma_start3A_475 : memref<32x1024xf32, #tpu.memory_space<hbm>>) target_semaphore(%arg10 : memref<!tpu.dma_semaphore, #tpu.memory_space<semaphore_mem>>)
    } else {
    }
    %not3A_393 = arith.constant true
    %not3A_394 = arith.xori %or3A_389, %not3A_393 : i1
    %convert_element_type3A_395 = arith.extui %not3A_394 : i1 to i32
    %cond3A_396 = arith.constant 0 : i32
    %cond3A_397 = arith.cmpi ne, %convert_element_type3A_395, %cond3A_396 : i32
    scf.if %cond3A_397 {
      %add3A_467 = arith.constant 6 : i32
      %add3A_468 = arith.addi %mul3A_2, %add3A_467 : i32
      %mul3A_469 = arith.constant 32 : i32
      %mul3A_470 = arith.muli %add3A_468, %mul3A_469 : i32
      %multiple_of3A_471 = tpu.assume_multiple %mul3A_470, 32 : i32
      %dma_start3A_472 = arith.constant 0 : i32
      %dma_start3A_473 = tpu.memref_slice %arg3[%multiple_of3A_471, %dma_start3A_472] : memref<8191x1024xf32, #tpu.memory_space<hbm>> -> memref<32x1024xf32, #tpu.memory_space<hbm>>
      %dma_start3A_474 = arith.constant 0 : i32
      %dma_start3A_475 = tpu.memref_slice %arg3[%multiple_of3A_471, %dma_start3A_474] : memref<8191x1024xf32, #tpu.memory_space<hbm>> -> memref<32x1024xf32, #tpu.memory_space<hbm>>
      tpu.enqueue_dma source(%arg8 : memref<32x1024xf32, #tpu.memory_space<vmem>>) target(%dma_start3A_475 : memref<32x1024xf32, #tpu.memory_space<hbm>>) target_semaphore(%arg10 : memref<!tpu.dma_semaphore, #tpu.memory_space<semaphore_mem>>)
    } else {
    }
    %dma_start3A_398 = arith.constant 0 : i32
    %dma_start3A_399 = arith.constant 0 : i32
    %dma_start3A_400 = tpu.memref_slice %arg3[%dma_start3A_398, %dma_start3A_399] : memref<8191x1024xf32, #tpu.memory_space<hbm>> -> memref<8191x1024xf32, #tpu.memory_space<hbm>>
    tpu.enqueue_indirect_dma source(%arg8 : memref<32x1024xf32, #tpu.memory_space<vmem>>) target(%dma_start3A_400 : memref<8191x1024xf32, #tpu.memory_space<hbm>>) offsets(%arg6 : memref<32xi32, #tpu.memory_space<vmem>>) semaphore(%arg10 : memref<!tpu.dma_semaphore, #tpu.memory_space<semaphore_mem>>)
    %add3A_401 = arith.constant 0 : i32
    %add3A_402 = arith.addi %mul3A_2, %add3A_401 : i32
    %mul3A_403 = arith.constant 32 : i32
    %mul3A_404 = arith.muli %add3A_402, %mul3A_403 : i32
    %multiple_of3A_405 = tpu.assume_multiple %mul3A_404, 32 : i32
    %dma_wait3A_406 = arith.constant 0 : i32
    %dma_wait3A_407 = tpu.memref_slice %arg3[%multiple_of3A_405, %dma_wait3A_406] : memref<8191x1024xf32, #tpu.memory_space<hbm>> -> memref<32x1024xf32, #tpu.memory_space<hbm>>
    %dma_wait3A_408 = arith.constant 0 : i32
    %dma_wait3A_409 = tpu.memref_slice %arg3[%multiple_of3A_405, %dma_wait3A_408] : memref<8191x1024xf32, #tpu.memory_space<hbm>> -> memref<32x1024xf32, #tpu.memory_space<hbm>>
    tpu.wait_dma2 semaphore(%arg10 : memref<!tpu.dma_semaphore, #tpu.memory_space<semaphore_mem>>) src(%arg7 : memref<32x1024xf32, #tpu.memory_space<vmem>>) dst(%dma_wait3A_409 : memref<32x1024xf32, #tpu.memory_space<hbm>>)
    %add3A_410 = arith.constant 1 : i32
    %add3A_411 = arith.addi %mul3A_2, %add3A_410 : i32
    %mul3A_412 = arith.constant 32 : i32
    %mul3A_413 = arith.muli %add3A_411, %mul3A_412 : i32
    %multiple_of3A_414 = tpu.assume_multiple %mul3A_413, 32 : i32
    %dma_wait3A_415 = arith.constant 0 : i32
    %dma_wait3A_416 = tpu.memref_slice %arg3[%multiple_of3A_414, %dma_wait3A_415] : memref<8191x1024xf32, #tpu.memory_space<hbm>> -> memref<32x1024xf32, #tpu.memory_space<hbm>>
    %dma_wait3A_417 = arith.constant 0 : i32
    %dma_wait3A_418 = tpu.memref_slice %arg3[%multiple_of3A_414, %dma_wait3A_417] : memref<8191x1024xf32, #tpu.memory_space<hbm>> -> memref<32x1024xf32, #tpu.memory_space<hbm>>
    tpu.wait_dma2 semaphore(%arg10 : memref<!tpu.dma_semaphore, #tpu.memory_space<semaphore_mem>>) src(%arg7 : memref<32x1024xf32, #tpu.memory_space<vmem>>) dst(%dma_wait3A_418 : memref<32x1024xf32, #tpu.memory_space<hbm>>)
    %add3A_419 = arith.constant 2 : i32
    %add3A_420 = arith.addi %mul3A_2, %add3A_419 : i32
    %mul3A_421 = arith.constant 32 : i32
    %mul3A_422 = arith.muli %add3A_420, %mul3A_421 : i32
    %multiple_of3A_423 = tpu.assume_multiple %mul3A_422, 32 : i32
    %dma_wait3A_424 = arith.constant 0 : i32
    %dma_wait3A_425 = tpu.memref_slice %arg3[%multiple_of3A_423, %dma_wait3A_424] : memref<8191x1024xf32, #tpu.memory_space<hbm>> -> memref<32x1024xf32, #tpu.memory_space<hbm>>
    %dma_wait3A_426 = arith.constant 0 : i32
    %dma_wait3A_427 = tpu.memref_slice %arg3[%multiple_of3A_423, %dma_wait3A_426] : memref<8191x1024xf32, #tpu.memory_space<hbm>> -> memref<32x1024xf32, #tpu.memory_space<hbm>>
    tpu.wait_dma2 semaphore(%arg10 : memref<!tpu.dma_semaphore, #tpu.memory_space<semaphore_mem>>) src(%arg7 : memref<32x1024xf32, #tpu.memory_space<vmem>>) dst(%dma_wait3A_427 : memref<32x1024xf32, #tpu.memory_space<hbm>>)
    %add3A_428 = arith.constant 3 : i32
    %add3A_429 = arith.addi %mul3A_2, %add3A_428 : i32
    %mul3A_430 = arith.constant 32 : i32
    %mul3A_431 = arith.muli %add3A_429, %mul3A_430 : i32
    %multiple_of3A_432 = tpu.assume_multiple %mul3A_431, 32 : i32
    %dma_wait3A_433 = arith.constant 0 : i32
    %dma_wait3A_434 = tpu.memref_slice %arg3[%multiple_of3A_432, %dma_wait3A_433] : memref<8191x1024xf32, #tpu.memory_space<hbm>> -> memref<32x1024xf32, #tpu.memory_space<hbm>>
    %dma_wait3A_435 = arith.constant 0 : i32
    %dma_wait3A_436 = tpu.memref_slice %arg3[%multiple_of3A_432, %dma_wait3A_435] : memref<8191x1024xf32, #tpu.memory_space<hbm>> -> memref<32x1024xf32, #tpu.memory_space<hbm>>
    tpu.wait_dma2 semaphore(%arg10 : memref<!tpu.dma_semaphore, #tpu.memory_space<semaphore_mem>>) src(%arg7 : memref<32x1024xf32, #tpu.memory_space<vmem>>) dst(%dma_wait3A_436 : memref<32x1024xf32, #tpu.memory_space<hbm>>)
    %add3A_437 = arith.constant 4 : i32
    %add3A_438 = arith.addi %mul3A_2, %add3A_437 : i32
    %mul3A_439 = arith.constant 32 : i32
    %mul3A_440 = arith.muli %add3A_438, %mul3A_439 : i32
    %multiple_of3A_441 = tpu.assume_multiple %mul3A_440, 32 : i32
    %dma_wait3A_442 = arith.constant 0 : i32
    %dma_wait3A_443 = tpu.memref_slice %arg3[%multiple_of3A_441, %dma_wait3A_442] : memref<8191x1024xf32, #tpu.memory_space<hbm>> -> memref<32x1024xf32, #tpu.memory_space<hbm>>
    %dma_wait3A_444 = arith.constant 0 : i32
    %dma_wait3A_445 = tpu.memref_slice %arg3[%multiple_of3A_441, %dma_wait3A_444] : memref<8191x1024xf32, #tpu.memory_space<hbm>> -> memref<32x1024xf32, #tpu.memory_space<hbm>>
    tpu.wait_dma2 semaphore(%arg10 : memref<!tpu.dma_semaphore, #tpu.memory_space<semaphore_mem>>) src(%arg7 : memref<32x1024xf32, #tpu.memory_space<vmem>>) dst(%dma_wait3A_445 : memref<32x1024xf32, #tpu.memory_space<hbm>>)
    %add3A_446 = arith.constant 5 : i32
    %add3A_447 = arith.addi %mul3A_2, %add3A_446 : i32
    %mul3A_448 = arith.constant 32 : i32
    %mul3A_449 = arith.muli %add3A_447, %mul3A_448 : i32
    %multiple_of3A_450 = tpu.assume_multiple %mul3A_449, 32 : i32
    %dma_wait3A_451 = arith.constant 0 : i32
    %dma_wait3A_452 = tpu.memref_slice %arg3[%multiple_of3A_450, %dma_wait3A_451] : memref<8191x1024xf32, #tpu.memory_space<hbm>> -> memref<32x1024xf32, #tpu.memory_space<hbm>>
    %dma_wait3A_453 = arith.constant 0 : i32
    %dma_wait3A_454 = tpu.memref_slice %arg3[%multiple_of3A_450, %dma_wait3A_453] : memref<8191x1024xf32, #tpu.memory_space<hbm>> -> memref<32x1024xf32, #tpu.memory_space<hbm>>
    tpu.wait_dma2 semaphore(%arg10 : memref<!tpu.dma_semaphore, #tpu.memory_space<semaphore_mem>>) src(%arg7 : memref<32x1024xf32, #tpu.memory_space<vmem>>) dst(%dma_wait3A_454 : memref<32x1024xf32, #tpu.memory_space<hbm>>)
    %add3A_455 = arith.constant 6 : i32
    %add3A_456 = arith.addi %mul3A_2, %add3A_455 : i32
    %mul3A_457 = arith.constant 32 : i32
    %mul3A_458 = arith.muli %add3A_456, %mul3A_457 : i32
    %multiple_of3A_459 = tpu.assume_multiple %mul3A_458, 32 : i32
    %dma_wait3A_460 = arith.constant 0 : i32
    %dma_wait3A_461 = tpu.memref_slice %arg3[%multiple_of3A_459, %dma_wait3A_460] : memref<8191x1024xf32, #tpu.memory_space<hbm>> -> memref<32x1024xf32, #tpu.memory_space<hbm>>
    %dma_wait3A_462 = arith.constant 0 : i32
    %dma_wait3A_463 = tpu.memref_slice %arg3[%multiple_of3A_459, %dma_wait3A_462] : memref<8191x1024xf32, #tpu.memory_space<hbm>> -> memref<32x1024xf32, #tpu.memory_space<hbm>>
    tpu.wait_dma2 semaphore(%arg10 : memref<!tpu.dma_semaphore, #tpu.memory_space<semaphore_mem>>) src(%arg7 : memref<32x1024xf32, #tpu.memory_space<vmem>>) dst(%dma_wait3A_463 : memref<32x1024xf32, #tpu.memory_space<hbm>>)
    %dma_wait3A_464 = arith.constant 0 : i32
    %dma_wait3A_465 = arith.constant 0 : i32
    %dma_wait3A_466 = tpu.memref_slice %arg3[%dma_wait3A_464, %dma_wait3A_465] : memref<8191x1024xf32, #tpu.memory_space<hbm>> -> memref<8191x1024xf32, #tpu.memory_space<hbm>>
    tpu.wait_indirect_dma semaphore(%arg10 : memref<!tpu.dma_semaphore, #tpu.memory_space<semaphore_mem>>) src(%arg8 : memref<32x1024xf32, #tpu.memory_space<vmem>>) dst(%dma_wait3A_466 : memref<8191x1024xf32, #tpu.memory_space<hbm>>)
    return
  }
}

module attributes {stable_mosaic.version = 14 : i64} {
  func.func @body(%arg0: i32, %arg1: memref<4x256x1024xf32, #tpu.memory_space<vmem>>, %arg2: memref<4x256x1024xf32, #tpu.memory_space<vmem>>) attributes {dimension_semantics = [#tpu.dimension_semantics<arbitrary>], iteration_bounds = array<i64: 16>, scalar_prefetch = 0 : i64, scratch_operands = 0 : i64, tpu.core_type = #tpu.core_type<tc>, window_params = [{transform_indices = @transform_0, window_bounds = array<i64: 4, 256, 1024>}, {transform_indices = @transform_1, window_bounds = array<i64: 4, 256, 1024>}]} {
    %get3A = arith.constant 0 : index
    %get3A_0 = arith.constant 0 : index
    %get3A_1 = arith.constant 0 : index
    %get3A_2 = vector.load %arg1[%get3A, %get3A_0, %get3A_1] : memref<4x256x1024xf32, #tpu.memory_space<vmem>>, vector<4x256x1024xf32>
    %swap3A = arith.constant 0 : index
    %swap3A_3 = arith.constant 0 : index
    %swap3A_4 = arith.constant 0 : index
    %swap3A_5 = vector.load %arg2[%swap3A, %swap3A_3, %swap3A_4] : memref<4x256x1024xf32, #tpu.memory_space<vmem>>, vector<4x256x1024xf32>
    tpu.vector_store %arg2[%swap3A, %swap3A_3, %swap3A_4], %get3A_2 {strides = array<i32>} : memref<4x256x1024xf32, #tpu.memory_space<vmem>>, vector<4x256x1024xf32>,
    return
  }
  func.func @transform_0(%arg0: i32) -> (i32, i32, i32) {
    %c0_i32 = arith.constant 0 : i32
    %c0_i32_0 = arith.constant 0 : i32
    %c0_i32_1 = arith.constant 0 : i32
    return %c0_i32, %arg0, %c0_i32_0 : i32, i32, i32
  }
  func.func @transform_1(%arg0: i32) -> (i32, i32, i32) {
    %c0_i32 = arith.constant 0 : i32
    %c0_i32_0 = arith.constant 0 : i32
    %c0_i32_1 = arith.constant 0 : i32
    return %c0_i32, %arg0, %c0_i32_0 : i32, i32, i32
  }
}

</mosaic_0001>

<sc_bundles>
// kernel: kernel.4.cloned.1.call-start
scs
__scs_entry_jumppad:
0x0: {  	(pc) =	sbr.rel $0x88, $3  }
0x1: {  	(tag) =	ssettag $0x0;
	lr =	simm.s32 $0x1  }
0x2: {  	[smem:$0x3F9F] =	sst lr;
	_ =	strace $0xD0000000  }
0x3: {  	_ = 	snop  }
0x4: {  	_ = 	snop  }
0x5: {  	_ = 	snop  }
0x6: {  	_ = 	snop  }
0x7: {  	_ = 	snop  }
__scs_overlays_trampoline_lowered:
0x8: {  	[smem:$0x3FAE] =	sst s0  }
0x9: {  	[smem:$0x3FAF] =	sst s1  }
0xa: {  	[smem:$0x3FB0] =	sst s2  }
0xb: {  	[smem:$0x3FB1] =	sst s3  }
0xc: {  	[smem:$0x3FB2] =	sst s4  }
0xd: {  	[smem:$0x3FB3] =	sst s5  }
0xe: {  	[smem:$0x3FB4] =	sst s6  }
0xf: {  	[smem:$0x3FB5] =	sst s7  }
0x10: {  	[smem:$0x3FB6] =	sst s8  }
0x11: {  	[smem:$0x3FB7] =	sst s9;
	s0 =	simm.s32 @!p0 $0x0  }
0x12: {  	s1 =	sld [smem:$0x3F9D];
	s0 =	simm.s32 @p0 $0x1  }
0x13: {  	[smem:$0x3FB8] =	sst s0;
	s0 =	simm.s32 @!p1 $0x0  }
0x14: {  	s2 =	sld [smem:$0x3F9C];
	s0 =	simm.s32 @p1 $0x1  }
0x15: {  	[smem:$0x3FB9] =	sst s0;
	s0 =	simm.s32 @!p2 $0x0  }
0x16: {  	s3 =	sld [smem:$0x3FDB];
	s0 =	simm.s32 @p2 $0x1  }
0x17: {  	s4 =	simm.s32 $0x1BF5;
	[smem:$0x3FBB] =	sst s0  }
0x18: {  	s0 =	sld [smem:$0x3F9E];
	_ =	swait.ge [sflag:s4], $0x0  }
0x19: {  	s7 =	sld [smem:$0x3F9F]  }
0x1a: {  	s8 =	sadd.s32 $0xFFFFE003, lr  }
0x1b: {  	s9 =	sadd.s32 $0xFFFFFEF7, lr;
	s5 =	simm.s32 $0xFFFFFFFF;
	p2 =	slt.u32 s8, $0xFFFFF086  }
0x1c: {  	p1 =	slt.u32 s9, $0xF7A;
	s5 =	simm.s32 @!p2 $0x0  }
0x1d: {  	s5 =	simm.s32 @p1 $0x1;
	p0 =	seq.s32 s7, s2  }
0x1e: {  	s7 =	smul.u32 @!p0 $0xF7A, s2;
	p2 =	seq.s32 @!p0 s5, $0x0  }
0x1f: {  	s9 =	smul.u32 $0xF7A, s1;
	s8 =	simm.s32 @!p0 $0x1BF5;
	p2 =	por !p2, p0  }
0x20: {  	[sflag:s8] =	ssyncset.s32 @!p0 $0xFFFFF086;
	s6 =	sadd.s32 @!p0 s3, s7;
	s7 =	simm.s32 @!p0 $0x108  }
0x21: {  	s3 =	sadd.s32 s3, s9;
	s6 =	sadd.s32 @!p0 $0x88, s6;
	s7 =	simm.s32 @p2 $0x1082  }
0x22: {  	[simem:s7], [sflag:s8] =	dma.local @!p0 [hbm:s6], $0xF7A  }
0x23: {  	s9 =	sor.u32 $0xD0000000, s2;
	s6 =	simm.s32 $0x108;
	_ =	swait.ge @!p0 [sflag:s8], $0x0  }
0x24: {  	s3 =	sadd.s32 $0x88, s3;
	s6 =	simm.s32 @!p1 $0x1082;
	[sflag:s4] =	ssyncset.s32 $0xFFFFF086  }
0x25: {  	[simem:s6], [sflag:s4] =	dma.local [hbm:s3], $0xF7A  }
0x26: {  	[smem:$0x3F9F] =	sst s1;
	(tag) =	ssettag s2;
	_ =	strace s9  }
0x27: {  	s1 =	sld [smem:$0x3FAF]  }
0x28: {  	s2 =	sld [smem:$0x3FB0]  }
0x29: {  	s4 =	sld [smem:$0x3FB2]  }
0x2a: {  	p0 =	seq.s32 s5, $0x0;
	s5 =	sld [smem:$0x3FB3]  }
0x2b: {  	s6 =	sld [smem:$0x3FB4]  }
0x2c: {  	s7 =	sld [smem:$0x3FB5]  }
0x2d: {  	s3 =	simm.s32 $0x108;
	s8 =	sld [smem:$0x3FB6]  }
0x2e: {  	s3 =	simm.s32 @!p0 $0x1082;
	s9 =	sld [smem:$0x3FB7]  }
0x2f: {  	lr =	sadd.s32 s0, s3;
	s0 =	sld [smem:$0x3FAE]  }
0x30: {  	s3 =	sld [smem:$0x3FB1]  }
0x31: {  	[smem:$0x3FBA] =	sst s10  }
0x32: {  	s10 =	sld [smem:$0x3FB8];
	_ =	sdelay $0x3  }
0x33: {  	p0 =	seq.s32 s10, $0x1;
	s10 =	sld [smem:$0x3FBA];
	_ =	sdelay $0x3  }
0x34: {  	[smem:$0x3FBA] =	sst s10  }
0x35: {  	s10 =	sld [smem:$0x3FB9];
	_ =	sdelay $0x3  }
0x36: {  	p1 =	seq.s32 s10, $0x1;
	s10 =	sld [smem:$0x3FBA];
	_ =	sdelay $0x3  }
0x37: {  	[smem:$0x3FBA] =	sst s10  }
0x38: {  	s10 =	sld [smem:$0x3FBB]  }
0x39: {  	_ = 	snop;
	(pc) =	sbr.ind lr, $3  }
0x3a: {  	_ = 	snop  }
0x3b: {  	_ = 	snop  }
0x3c: {  	p2 =	seq.s32 s10, $0x1;
	s10 =	sld [smem:$0x3FBA]  }
0x3d: {  	_ =	shalt  }
0x3e: {  	_ =	shalt  }
0x3f: {  	_ =	shalt  }
0x40: {  	_ =	shalt  }
0x41: {  	_ =	shalt  }
0x42: {  	_ =	shalt  }
0x43: {  	_ =	shalt  }
0x44: {  	_ =	shalt  }
0x45: {  	_ =	shalt  }
0x46: {  	_ =	shalt  }
0x47: {  	_ =	shalt  }
0x48: {  	_ =	shalt  }
0x49: {  	_ =	shalt  }
0x4a: {  	_ =	shalt  }
0x4b: {  	_ =	shalt  }
0x4c: {  	_ =	shalt  }
0x4d: {  	_ =	shalt  }
0x4e: {  	_ =	shalt  }
0x4f: {  	_ =	shalt  }
0x50: {  	_ =	shalt  }
0x51: {  	_ =	shalt  }
0x52: {  	_ =	shalt  }
0x53: {  	_ =	shalt  }
0x54: {  	_ =	shalt  }
0x55: {  	_ =	shalt  }
0x56: {  	_ =	shalt  }
0x57: {  	_ =	shalt  }
0x58: {  	_ =	shalt  }
0x59: {  	_ =	shalt  }
0x5a: {  	_ =	shalt  }
0x5b: {  	_ =	shalt  }
0x5c: {  	_ =	shalt  }
0x5d: {  	_ =	shalt  }
0x5e: {  	_ =	shalt  }
0x5f: {  	_ =	shalt  }
0x60: {  	_ =	shalt  }
0x61: {  	_ =	shalt  }
0x62: {  	_ =	shalt  }
0x63: {  	_ =	shalt  }
0x64: {  	_ =	shalt  }
0x65: {  	_ =	shalt  }
0x66: {  	_ =	shalt  }
0x67: {  	_ =	shalt  }
0x68: {  	_ =	shalt  }
0x69: {  	_ =	shalt  }
0x6a: {  	_ =	shalt  }
0x6b: {  	_ =	shalt  }
0x6c: {  	_ =	shalt  }
0x6d: {  	_ =	shalt  }
0x6e: {  	_ =	shalt  }
0x6f: {  	_ =	shalt  }
0x70: {  	_ =	shalt  }
0x71: {  	_ =	shalt  }
0x72: {  	_ =	shalt  }
0x73: {  	_ =	shalt  }
0x74: {  	_ =	shalt  }
0x75: {  	_ =	shalt  }
0x76: {  	_ =	shalt  }
0x77: {  	_ =	shalt  }
0x78: {  	_ =	shalt  }
0x79: {  	_ =	shalt  }
0x7a: {  	_ =	shalt  }
0x7b: {  	_ =	shalt  }
0x7c: {  	_ =	shalt  }
0x7d: {  	_ =	shalt  }
0x7e: {  	_ =	shalt  }
0x7f: {  	_ =	shalt  }
0x80: {  	_ =	shalt  }
0x81: {  	_ =	shalt  }
0x82: {  	_ =	shalt  }
0x83: {  	_ =	shalt  }
0x84: {  	_ =	shalt  }
0x85: {  	_ =	shalt  }
0x86: {  	_ =	shalt  }
0x87: {  	_ =	shalt  }
.Lfunc_end0:
.L_simem_size_0:
called_computation_lowered:
.L_overlay_start_0:
0x88: {  	s2 =	sld [smem:$0x3FD9]  }
0x89: {  	s3 =	sld [smem:$0x3FFE];
	_ =	sdelay $0x1  }
0x8a: {  	s1 =	srdreg.scid  }
0x8b: {  	s0 =	sand.u32 $0x1, s1  }
0x8c: {  	s15 =	sshll.u32 s0, $0xA;
	s2 =	sadd.s32 s3, s2  }
0x8d: {  	s2 =	sadd.s32 s2, s15  }
0x8e: {  	[smem:$0x3FC6] =	sst s2  }
0x8f: {  	_ = 	snop  }
0x90: {  	s2 =	sld [smem:$0x3FD0];
	_ =	sdelay $0x2  }
0x91: {  	s4 =	simm.s32 $0xA;
	s5 =	simm.s32 $0x10;
	s16 =	sld [smem:$0x3FC8]  }
0x92: {  	[smem:s5], [sflag:s4] =	dma.local [hbm:s2], $0x1  }
0x93: {  	_ =	swait.eq [sflag:s4], $0x1  }
0x94: {  	[sflag:s4] =	ssyncset.done $0x0  }
0x95: {  	[sflag:s4] =	ssyncadd.s32 $0xFFFFFFFF  }
0x96: {  	s17 =	sld [smem:$0x11];
	(tm) =	ssettm $0x1  }
0x97: {  	s18 =	sld [smem:$0x3FFB];
	_ =	sdelay $0x3  }
0x98: {  	_ =	strace s18  }
0x99: {  	s4 =	sld [smem:$0x3FFC];
	_ =	sdelay $0x3  }
0x9a: {  	_ =	strace s4  }
0x9b: {  	s4 =	sld [smem:$0x3FFD];
	_ =	sdelay $0x3  }
0x9c: {  	_ =	strace s4  }
0x9d: {  	_ =	strace $0x8FFFFFFF  }
0x9e: {  	s19 =	sld [smem:$0x3FDB];
	_ =	sdelay $0x1  }
0x9f: {  	s20 =	simm.s32 $_scs_section_size  }
0xa0: {  	s6 =	simm.s32 $_size__tile_overlayer_lowered;
	s7 =	simm.s32 $_tile_overlayer_lowered  }
0xa1: {  	s23 =	simm.s32 $0x1BFF;
	s22 =	sshll.u32 s7, $0x1;
	s4 =	sadd.s32 s20, s19  }
0xa2: {  	s8 =	simm.s32 $0x0;
	s21 =	sshll.u32 s6, $0x1;
	s6 =	sadd.s32 s22, s4  }
0xa3: {  	[timem:s8], [sflag:s23] =	dma.local [hbm:s6], s21  }
0xa4: {  	_ =	swait.ge [sflag:s23], s21  }
0xa5: {  	s5 =	ssub.s32 $0x0, s21;
	[sflag:s23] =	ssyncset.done $0x0  }
0xa6: {  	[sflag:s23] =	ssyncadd.s32 s5;
	_ =	sdelay $0x1  }
0xa7: {  	s24 =	simm.s32 $0x1B8B  }
0xa8: {  	_ =	swait.ge [sflag:s24], $0x1  }
0xa9: {  	[sflag:s24] =	ssyncset.done $0x0  }
0xaa: {  	s25 =	simm.s32 $0x1B8E;
	[sflag:s24] =	ssyncadd.s32 $0xFFFFFFFF  }
0xab: {  	s26 =	simm.s32 $execute0_lowered;
	[smem:$0x3FD2] =	sst s25  }
0xac: {  	s5 =	sshll.u32 s26, $0x1;
	_ =	strace $0x80000046;
	[dreg:$0x1] =	wrdreg $0xFFFFFFFF  }
0xad: {  	s28 =	simm.s32 $_size_execute0_lowered;
	s4 =	sadd.s32 s4, s5;
	[dreg:$0x0] =	wrdreg $0x0  }
0xae: {  	s5 =	sshll.u32 s28, $0x1;
	[dreg:$0x2] =	wrdreg s4  }
0xaf: {  	[dreg:$0x3] =	wrdreg s5  }
0xb0: {  	[dreg:$0x4] =	wrdreg $0xC0  }
0xb1: {  	_ =	task [dreg:s8], $0x5FFFF  }
0xb2: {  	[dreg:$0x1] =	wrdreg $0xFFFFFFFF  }
0xb3: {  	[dreg:$0x0] =	wrdreg $0x60  }
0xb4: {  	[dreg:$0x2] =	wrdreg s16  }
0xb5: {  	[dreg:$0x3] =	wrdreg s17  }
0xb6: {  	[dreg:$0x4] =	wrdreg $0x9  }
0xb7: {  	_ =	task.clear_ibuf [dreg:s8], $0x5FFFF;
	_ =	strace $0x90000046  }
0xb8: {  	s29 =	simm.s32 $0x9;
	_ =	strace $0x80000048  }
0xb9: {  	_ =	swait.ge [sflag:s29], $0x1  }
0xba: {  	[sflag:s29] =	ssyncadd.s32 $0xFFFFFFFF  }
0xbb: {  	_ =	strace $0x90000048  }
0xbc: {  	_ =	sfence  }
0xbd: {  	s30 =	sld [smem:$0x0];
	_ =	sdelay $0x2  }
0xbe: {  	s31 =	sshll.u32 s1, $0xD;
	s1 =	sshrl.u32 s1, $0x2  }
0xbf: {  	s3 =	sand.u32 $0x4000, s31;
	s1 =	sadd.s32 s1, s30  }
0xc0: {  	s0 =	sor.u32 s3, s0;
	s1 =	sshll.u32 s1, $0x11  }
0xc1: {  	s0 =	sor.u32 s1, s0  }
0xc2: {  	s0 =	sadd.s32 $0x8F2B, s0  }
0xc3: {  	[sflag:s0] =	ssyncadd.remote.s32 $0x1  }
0xc4: {  	_ =	sfence.sel $0xFFFF  }
0xc5: {  	[dreg:$0x0] =	wrdreg $0xFFFFFFFF;
	(pc) =	sbr.abs _section_cstart, $3  }
0xc6: {  	[dreg:$0x1] =	wrdreg $0xFFFFFFFF  }
0xc7: {  	_ =	task.clear_ibuf [dreg:s8], $0x2FFFF;
	_ =	strace $0x9FFFFFFF  }
0xc8: {  	(tm) =	ssettm $0x7FFFFFFF  }
0xc9: {  	_ =	shalt  }
tec
execute0_lowered:
.L_overlay_start_1:
0x0: {  	(tag) =	ssettag $0x1  }
0x1: {  	s2 =	rddreg [dreg:$0x0]  }
0x2: {  	s3 =	rddreg [dreg:$0x1];
	s4 =	simm.s32 $0x0  }
0x3: {  	s0 =	srdreg.scid;
	s14 =	simm.s32 $0x980;
	[smem:$0x7FF] =	sst s4  }
0x4: {  	s15 =	simm.s32 $0x1180;
	_ =	strace $0x80000047;
	[dreg:$0x9] =	wrdreg s14  }
0x5: {  	s5 =	stileid.u32;
	s17 =	simm.s32 $0x1980;
	[dreg:$0xa] =	wrdreg s15  }
0x6: {  	s19 =	simm.s32 $0x2180;
	s20 =	simm.s32 $0x3980;
	[dreg:$0xb] =	wrdreg s17  }
0x7: {  	s21 =	simm.s32 $0x4180;
	s22 =	simm.s32 $0x4980;
	[dreg:$0xc] =	wrdreg s19  }
0x8: {  	s23 =	simm.s32 $0x5180;
	s24 =	simm.s32 $0x5980;
	[dreg:$0xf] =	wrdreg s20  }
0x9: {  	s25 =	simm.s32 $0x6180;
	s26 =	simm.s32 $0x7180;
	[dreg:$0x10] =	wrdreg s21  }
0xa: {  	s28 =	simm.s32 $0xD980;
	s29 =	simm.s32 $0xE180;
	[dreg:$0x11] =	wrdreg s22  }
0xb: {  	s30 =	simm.s32 $0xE980;
	s31 =	simm.s32 $0xF180;
	[dreg:$0x12] =	wrdreg s23  }
0xc: {  	s0 =	sand.u32 $0x1, s0;
	s1 =	sshll.u32 s5, $0x1;
	[dreg:$0x13] =	wrdreg s24  }
0xd: {  	p0 =	slt.u32 s5, $0x8;
	s9 =	sor.u32 s0, s1;
	[dreg:$0x14] =	wrdreg s25  }
0xe: {  	s0 =	ssub.s32 $0x2, s0;
	s14 =	simm.s32 $0x6980;
	[dreg:$0x16] =	wrdreg s26  }
0xf: {  	s15 =	simm.s32 $0x7980;
	s17 =	simm.s32 $0x8980;
	s19 =	simm.s32 $0x9980  }
0x10: {  	s20 =	simm.s32 $0xA180;
	s21 =	simm.s32 $0xA980;
	s22 =	simm.s32 $0xB180  }
0x11: {  	s23 =	simm.s32 $0xB980;
	s24 =	simm.s32 $0xC180;
	s25 =	simm.s32 $0xC980  }
0x12: {  	s26 =	simm.s32 $0xD180;
	s1 =	sshll.u32 s9, $0xF;
	[dreg:$0x15] =	wrdreg s14  }
0x13: {  	p1 =	sgt.u32 s9, $0x10;
	[dreg:$0x17] =	wrdreg s15;
	s7 =	sadd.s32 s3, s1  }
0x14: {  	v8 =	vlaneseq.u32;
	s1 =	sadd.s32 $0x1000, s7;
	s10 =	sadd.s32 $0x4000, s7;
	[dreg:$0x18] =	wrdreg s7  }
0x15: {  	v0 =	vadd.s32 $0xFFFFF001, v8;
	v7 =	vshrl.u32 v8, $0x3;
	s11 =	sadd.s32 $0x5000, s7;
	[dreg:$0x6] =	wrdreg s10;
	s10 =	sshll.u32 s9, $0x8  }
0x16: {  	v7 =	vmul.u32 $0x8, v7;
	[dreg:$0x7] =	wrdreg s11;
	s11 =	sor.u32 $0x10, s10;
	s16 =	sor.u32 $0xE0, s10;
	v1 =	vadd.s32 s10, v0  }
0x17: {  	s6 =	sadd.s32 $0x2000, s7;
	[dreg:$0x3] =	wrdreg s1;
	s18 =	sor.u32 $0xF0, s10;
	vm0 =	vgt.s32 v1, $0xFFFFFFF6;
	v2 =	vadd.s32 s11, v0;
	v3 =	vadd.s32 s16, v0  }
0x18: {  	s15 =	simm.s32 $0x180;
	s8 =	sadd.s32 $0x3000, s7;
	[dreg:$0x4] =	wrdreg s6;
	v4 =	vadd.s32 s18, v0;
	v1 =	vnsel vm0, $0xFFFFFFF6, v1;
	vm1 =	vgt.s32 v2, $0xFFFFFFF6  }
0x19: {  	s13 =	sadd.s32 $0x6000, s7;
	s7 =	sadd.s32 $0x200, s2;
	[dreg:$0x5] =	wrdreg s8;
	v5 =	vor.u32 s16, v8;
	vm0 =	vlt.s32 v1, $0xA;
	v2 =	vnsel vm1, $0xFFFFFFF6, v2  }
0x1a: {  	s6 =	sshrl.u32 s0, $0x1;
	[dreg:$0x8] =	wrdreg s13;
	s8 =	simm.s32 $0x2980;
	vm1 =	vgt.s32 v3, $0xFFFFFFF6;
	v1 =	vnsel vm0, $0xA, v1;
	vm0 =	vlt.s32 v2, $0xA  }
0x1b: {  	s13 =	simm.s32 $0x3180;
	s9 =	sadd.s32 $0x100, s3;
	s1 =	simm.s32 $0x1;
	v3 =	vnsel vm1, $0xFFFFFFF6, v3;
	v2 =	vnsel vm0, $0xA, v2;
	vm0 =	vgt.s32 v4, $0xFFFFFFF6  }
0x1c: {  	s12 =	ssub.s32 s0, s6;
	s6 =	sadd.s32 $0x100, s2;
	[dreg:$0xd] =	wrdreg s8;
	v0 =	vadd.s32 $0xA, v1;
	v4 =	vnsel vm0, $0xFFFFFFF6, v4;
	vm0 =	vlt.s32 v3, $0xA  }
0x1d: {  	s8 =	sadd.s32 $0x300, s2;
	[dreg:$0xe] =	wrdreg s13;
	s10 =	sadd.s32 $0x200, s3;
	v1 =	vadd.s32 $0xA, v2;
	v2 =	vnsel vm0, $0xA, v3;
	vm0 =	vlt.s32 v4, $0xA  }
0x1e: {  	s13 =	simm.s32 $0x180;
	s0 =	simm.s32 $0x2;
	s11 =	sadd.s32 $0x300, s3;
	v6 =	vor.u32 s18, v8;
	v2 =	vadd.s32 $0xA, v2;
	v3 =	vnsel vm0, $0xA, v4  }
0x1f: {  	s12 =	smax.u32 s12, $0x1;
	s13 =	simm.s32 @!p1 $0x8180;
	s16 =	simm.s32 $0x8180;
	v4 =	vmin.u32 v5, $0x1FFE;
	v5 =	vmin.u32 v6, $0x1FFE;
	v6 =	vand.u32 $0x7, v8  }
0x20: {  	s18 =	simm.s32 $0x9180;
	s3 =	simm.s32 $0xF980;
	s13 =	simm.s32 @p0 $0x180;
	vm0 =	vmmov $0xffff;
	v8 =	vor.u32 $0x8, v8;
	v3 =	vadd.s32 $0xA, v3  }
.LBB2_1:
0x21: {  	[tilespmem:$0x0] =	vst v0  }
0x22: {  	v9 =	vld [tilespmem:$0x0];
	_ =	sdelay $0x4  }
0x23: {  	v10 =	vshll.u32 v9, $0x3  }
0x24: {  	v9 =	vand.u32 $0x7, v9;
	v10 =	vand.u32 $0xFFFFFFC0, v10  }
0x25: {  	v9 =	vor.u32 v9, v10  }
0x26: {  	v10 =	vperm.xlane v9, v6;
	_ =	sdelay $0x1  }
0x27: {  	[tilespmem:$0x10] =	vst v1;
	v10 =	vadd.s32 v7, v10  }
0x28: {  	[tilespmem:$0x80] =	vst v2  }
0x29: {  	[tilespmem:$0x90] =	vst v3  }
0x2a: {  	[tilespmem:$0x100] =	vst v4  }
0x2b: {  	[tilespmem:$0x110] =	vst v5  }
0x2c: {  	[tilespmem:s15], [sflag:$0x1] =	stream.indirect_vreg.gather [hbm4b:s2+s4], $0x80, v10, vm0, $0xb8;
	[tilespmem:$0x10180] =	vst v63  }
0x2d: {  	s5 =	rddreg [dreg:$0x9];
	v9 =	vperm.xlane v9, v8  }
0x2e: {  	[tilespmem:s5], [sflag:$0x1] =	stream.indirect_vreg.gather [hbm4b:s6+s4], $0x80, v10, vm0, $0xb8;
	[tilespmem:$0x10180] =	vst v63  }
0x2f: {  	s14 =	rddreg [dreg:$0xa];
	v9 =	vadd.s32 v7, v9  }
0x30: {  	[tilespmem:s14], [sflag:$0x1] =	stream.indirect_vreg.gather [hbm4b:s7+s4], $0x80, v10, vm0, $0xb8;
	[tilespmem:$0x10180] =	vst v63  }
0x31: {  	s5 =	rddreg [dreg:$0xb]  }
0x32: {  	[tilespmem:s5], [sflag:$0x1] =	stream.indirect_vreg.gather [hbm4b:s8+s4], $0x80, v10, vm0, $0xb8;
	[tilespmem:$0x10180] =	vst v63  }
0x33: {  	s14 =	rddreg [dreg:$0xc]  }
0x34: {  	[tilespmem:s14], [sflag:$0x1] =	stream.indirect_vreg.gather [hbm4b:s2+s4], $0x80, v9, vm0, $0xb8;
	[tilespmem:$0x10180] =	vst v63  }
0x35: {  	s5 =	rddreg [dreg:$0xd]  }
0x36: {  	[tilespmem:s5], [sflag:$0x1] =	stream.indirect_vreg.gather [hbm4b:s6+s4], $0x80, v9, vm0, $0xb8;
	[tilespmem:$0x10180] =	vst v63  }
0x37: {  	s14 =	rddreg [dreg:$0xe]  }
0x38: {  	[tilespmem:s14], [sflag:$0x1] =	stream.indirect_vreg.gather [hbm4b:s7+s4], $0x80, v9, vm0, $0xb8;
	[tilespmem:$0x10180] =	vst v63  }
0x39: {  	s5 =	rddreg [dreg:$0xf]  }
0x3a: {  	[tilespmem:s5], [sflag:$0x1] =	stream.indirect_vreg.gather [hbm4b:s8+s4], $0x80, v9, vm0, $0xb8;
	[tilespmem:$0x10180] =	vst v63  }
0x3b: {  	v9 =	vld [tilespmem:$0x10];
	_ =	sdelay $0x4  }
0x3c: {  	v10 =	vshll.u32 v9, $0x3  }
0x3d: {  	v9 =	vand.u32 $0x7, v9;
	v10 =	vand.u32 $0xFFFFFFC0, v10  }
0x3e: {  	v9 =	vor.u32 v9, v10  }
0x3f: {  	v10 =	vperm.xlane v9, v6;
	_ =	sdelay $0x1  }
0x40: {  	v10 =	vadd.s32 v7, v10;
	_ =	sdelay $0x3  }
0x41: {  	s5 =	rddreg [dreg:$0x10]  }
0x42: {  	[tilespmem:s5], [sflag:$0x1] =	stream.indirect_vreg.gather [hbm4b:s2+s4], $0x80, v10, vm0, $0xb8;
	[tilespmem:$0x10180] =	vst v63  }
0x43: {  	s14 =	rddreg [dreg:$0x11];
	v9 =	vperm.xlane v9, v8  }
0x44: {  	[tilespmem:s14], [sflag:$0x1] =	stream.indirect_vreg.gather [hbm4b:s6+s4], $0x80, v10, vm0, $0xb8;
	[tilespmem:$0x10180] =	vst v63  }
0x45: {  	v9 =	vadd.s32 v7, v9;
	s5 =	rddreg [dreg:$0x12]  }
0x46: {  	[tilespmem:s5], [sflag:$0x1] =	stream.indirect_vreg.gather [hbm4b:s7+s4], $0x80, v10, vm0, $0xb8;
	[tilespmem:$0x10180] =	vst v63  }
0x47: {  	s14 =	rddreg [dreg:$0x13]  }
0x48: {  	[tilespmem:s14], [sflag:$0x1] =	stream.indirect_vreg.gather [hbm4b:s8+s4], $0x80, v10, vm0, $0xb8;
	[tilespmem:$0x10180] =	vst v63  }
0x49: {  	s5 =	rddreg [dreg:$0x14]  }
0x4a: {  	[tilespmem:s5], [sflag:$0x1] =	stream.indirect_vreg.gather [hbm4b:s2+s4], $0x80, v9, vm0, $0xb8;
	[tilespmem:$0x10180] =	vst v63  }
0x4b: {  	s14 =	rddreg [dreg:$0x15]  }
0x4c: {  	[tilespmem:s14], [sflag:$0x1] =	stream.indirect_vreg.gather [hbm4b:s6+s4], $0x80, v9, vm0, $0xb8;
	[tilespmem:$0x10180] =	vst v63  }
0x4d: {  	s5 =	rddreg [dreg:$0x16]  }
0x4e: {  	[tilespmem:s5], [sflag:$0x1] =	stream.indirect_vreg.gather [hbm4b:s7+s4], $0x80, v9, vm0, $0xb8;
	[tilespmem:$0x10180] =	vst v63  }
0x4f: {  	s14 =	rddreg [dreg:$0x17]  }
0x50: {  	[tilespmem:s14], [sflag:$0x1] =	stream.indirect_vreg.gather [hbm4b:s8+s4], $0x80, v9, vm0, $0xb8;
	[tilespmem:$0x10180] =	vst v63  }
0x51: {  	v9 =	vld [tilespmem:$0x80];
	_ =	sdelay $0x4  }
0x52: {  	v10 =	vshll.u32 v9, $0x3  }
0x53: {  	v9 =	vand.u32 $0x7, v9;
	v10 =	vand.u32 $0xFFFFFFC0, v10  }
0x54: {  	v9 =	vor.u32 v9, v10  }
0x55: {  	v10 =	vperm.xlane v9, v6;
	_ =	sdelay $0x1  }
0x56: {  	v10 =	vadd.s32 v7, v10;
	_ =	sdelay $0x4  }
0x57: {  	[tilespmem:s16], [sflag:$0x1] =	stream.indirect_vreg.gather [hbm4b:s2+s4], $0x80, v10, vm0, $0xb8;
	[tilespmem:$0x10180] =	vst v63  }
0x58: {  	v9 =	vperm.xlane v9, v8  }
0x59: {  	[tilespmem:s17], [sflag:$0x1] =	stream.indirect_vreg.gather [hbm4b:s6+s4], $0x80, v10, vm0, $0xb8;
	[tilespmem:$0x10180] =	vst v63  }
0x5a: {  	v9 =	vadd.s32 v7, v9  }
0x5b: {  	[tilespmem:s18], [sflag:$0x1] =	stream.indirect_vreg.gather [hbm4b:s7+s4], $0x80, v10, vm0, $0xb8;
	[tilespmem:$0x10180] =	vst v63  }
0x5c: {  	_ = 	snop  }
0x5d: {  	[tilespmem:s19], [sflag:$0x1] =	stream.indirect_vreg.gather [hbm4b:s8+s4], $0x80, v10, vm0, $0xb8;
	[tilespmem:$0x10180] =	vst v63  }
0x5e: {  	_ = 	snop  }
0x5f: {  	[tilespmem:s20], [sflag:$0x1] =	stream.indirect_vreg.gather [hbm4b:s2+s4], $0x80, v9, vm0, $0xb8;
	[tilespmem:$0x10180] =	vst v63  }
0x60: {  	_ = 	snop  }
0x61: {  	[tilespmem:s21], [sflag:$0x1] =	stream.indirect_vreg.gather [hbm4b:s6+s4], $0x80, v9, vm0, $0xb8;
	[tilespmem:$0x10180] =	vst v63  }
0x62: {  	_ = 	snop  }
0x63: {  	[tilespmem:s22], [sflag:$0x1] =	stream.indirect_vreg.gather [hbm4b:s7+s4], $0x80, v9, vm0, $0xb8;
	[tilespmem:$0x10180] =	vst v63  }
0x64: {  	_ = 	snop  }
0x65: {  	[tilespmem:s23], [sflag:$0x1] =	stream.indirect_vreg.gather [hbm4b:s8+s4], $0x80, v9, vm0, $0xb8;
	[tilespmem:$0x10180] =	vst v63  }
0x66: {  	v9 =	vld [tilespmem:$0x90];
	_ =	sdelay $0x4  }
0x67: {  	v10 =	vshll.u32 v9, $0x3  }
0x68: {  	v9 =	vand.u32 $0x7, v9;
	v10 =	vand.u32 $0xFFFFFFC0, v10  }
0x69: {  	v9 =	vor.u32 v9, v10  }
0x6a: {  	v10 =	vperm.xlane v9, v6;
	_ =	sdelay $0x1  }
0x6b: {  	v10 =	vadd.s32 v7, v10;
	_ =	sdelay $0x4  }
0x6c: {  	[tilespmem:s24], [sflag:$0x1] =	stream.indirect_vreg.gather [hbm4b:s2+s4], $0x80, v10, vm0, $0xb8;
	[tilespmem:$0x10180] =	vst v63  }
0x6d: {  	v9 =	vperm.xlane v9, v8  }
0x6e: {  	[tilespmem:s25], [sflag:$0x1] =	stream.indirect_vreg.gather [hbm4b:s6+s4], $0x80, v10, vm0, $0xb8;
	[tilespmem:$0x10180] =	vst v63  }
0x6f: {  	v9 =	vadd.s32 v7, v9  }
0x70: {  	[tilespmem:s26], [sflag:$0x1] =	stream.indirect_vreg.gather [hbm4b:s7+s4], $0x80, v10, vm0, $0xb8;
	[tilespmem:$0x10180] =	vst v63  }
0x71: {  	_ = 	snop  }
0x72: {  	[tilespmem:s28], [sflag:$0x1] =	stream.indirect_vreg.gather [hbm4b:s8+s4], $0x80, v10, vm0, $0xb8;
	[tilespmem:$0x10180] =	vst v63  }
0x73: {  	_ = 	snop  }
0x74: {  	[tilespmem:s29], [sflag:$0x1] =	stream.indirect_vreg.gather [hbm4b:s2+s4], $0x80, v9, vm0, $0xb8;
	[tilespmem:$0x10180] =	vst v63  }
0x75: {  	_ = 	snop  }
0x76: {  	[tilespmem:s30], [sflag:$0x1] =	stream.indirect_vreg.gather [hbm4b:s6+s4], $0x80, v9, vm0, $0xb8;
	[tilespmem:$0x10180] =	vst v63  }
0x77: {  	_ = 	snop  }
0x78: {  	[tilespmem:s31], [sflag:$0x1] =	stream.indirect_vreg.gather [hbm4b:s7+s4], $0x80, v9, vm0, $0xb8;
	[tilespmem:$0x10180] =	vst v63  }
0x79: {  	_ = 	snop  }
0x7a: {  	[tilespmem:s3], [sflag:$0x1] =	stream.indirect_vreg.gather [hbm4b:s8+s4], $0x80, v9, vm0, $0xb8;
	[tilespmem:$0x10180] =	vst v63  }
0x7b: {  	_ =	swait.ge [sflag:s1], $0x8000  }
0x7c: {  	[sflag:s1] =	ssyncset.done $0x0  }
0x7d: {  	[sflag:s1] =	ssyncadd.s32 $0xFFFF8000  }
0x7e: {  	_ =	swait.ge [sflag:s1], $0x8000  }
0x7f: {  	[sflag:s1] =	ssyncset.done $0x0  }
0x80: {  	s14 =	rddreg [dreg:$0x18];
	[sflag:s1] =	ssyncadd.s32 $0xFFFF8000  }
0x81: {  	[hbm4b:s14+s4] =	stream.linear.scatter [tilespmem:s15], [sflag:$0x2], $0x8000, $0x38;
	[tilespmem:$0x10180] =	vst v63  }
0x82: {  	s5 =	rddreg [dreg:$0x3]  }
0x83: {  	[hbm4b:s5+s4] =	stream.linear.scatter [tilespmem:s13], [sflag:$0x2], $0x8000, $0x38;
	[tilespmem:$0x10180] =	vst v63  }
0x84: {  	s14 =	rddreg [dreg:$0x4]  }
0x85: {  	[hbm4b:s14+s4] =	stream.linear.scatter [tilespmem:s13], [sflag:$0x2], $0x8000, $0x38;
	[tilespmem:$0x10180] =	vst v63  }
0x86: {  	s5 =	rddreg [dreg:$0x5]  }
0x87: {  	[hbm4b:s5+s4] =	stream.linear.scatter [tilespmem:s13], [sflag:$0x2], $0x8000, $0x38;
	[tilespmem:$0x10180] =	vst v63  }
0x88: {  	s14 =	rddreg [dreg:$0x6]  }
0x89: {  	[hbm4b:s14+s4] =	stream.linear.scatter [tilespmem:s13], [sflag:$0x2], $0x8000, $0x38;
	[tilespmem:$0x10180] =	vst v63  }
0x8a: {  	s5 =	rddreg [dreg:$0x7]  }
0x8b: {  	[hbm4b:s5+s4] =	stream.linear.scatter [tilespmem:s13], [sflag:$0x2], $0x8000, $0x38;
	[tilespmem:$0x10180] =	vst v63  }
0x8c: {  	s14 =	rddreg [dreg:$0x8]  }
0x8d: {  	[hbm4b:s14+s4] =	stream.linear.scatter [tilespmem:s13], [sflag:$0x2], $0x8000, $0x38;
	[tilespmem:$0x10180] =	vst v63  }
0x8e: {  	v9 =	vld [tilespmem:$0x100];
	_ =	sdelay $0x4  }
0x8f: {  	v10 =	vshll.u32 v9, $0x3  }
0x90: {  	v9 =	vand.u32 $0x7, v9;
	v10 =	vand.u32 $0xFFFFFFC0, v10  }
0x91: {  	v9 =	vor.u32 v9, v10  }
0x92: {  	v10 =	vperm.xlane v9, v6;
	_ =	sdelay $0x1  }
0x93: {  	v10 =	vadd.s32 v7, v10;
	_ =	sdelay $0x3  }
0x94: {  	s14 =	rddreg [dreg:$0x1]  }
0x95: {  	[hbm4b:s14+s4] =	stream.indirect_vreg.scatter [tilespmem:s16], [sflag:$0x2], $0x80, v10, vm0, $0xb8;
	[tilespmem:$0x10180] =	vst v63  }
0x96: {  	v9 =	vperm.xlane v9, v8  }
0x97: {  	[hbm4b:s9+s4] =	stream.indirect_vreg.scatter [tilespmem:s17], [sflag:$0x2], $0x80, v10, vm0, $0xb8;
	[tilespmem:$0x10180] =	vst v63  }
0x98: {  	v9 =	vadd.s32 v7, v9  }
0x99: {  	[hbm4b:s10+s4] =	stream.indirect_vreg.scatter [tilespmem:s18], [sflag:$0x2], $0x80, v10, vm0, $0xb8;
	[tilespmem:$0x10180] =	vst v63  }
0x9a: {  	_ = 	snop  }
0x9b: {  	[hbm4b:s11+s4] =	stream.indirect_vreg.scatter [tilespmem:s19], [sflag:$0x2], $0x80, v10, vm0, $0xb8;
	[tilespmem:$0x10180] =	vst v63  }
0x9c: {  	_ = 	snop  }
0x9d: {  	[hbm4b:s14+s4] =	stream.indirect_vreg.scatter [tilespmem:s20], [sflag:$0x2], $0x80, v9, vm0, $0xb8;
	[tilespmem:$0x10180] =	vst v63  }
0x9e: {  	_ = 	snop  }
0x9f: {  	[hbm4b:s9+s4] =	stream.indirect_vreg.scatter [tilespmem:s21], [sflag:$0x2], $0x80, v9, vm0, $0xb8;
	[tilespmem:$0x10180] =	vst v63  }
0xa0: {  	_ = 	snop  }
0xa1: {  	[hbm4b:s10+s4] =	stream.indirect_vreg.scatter [tilespmem:s22], [sflag:$0x2], $0x80, v9, vm0, $0xb8;
	[tilespmem:$0x10180] =	vst v63  }
0xa2: {  	_ = 	snop  }
0xa3: {  	[hbm4b:s11+s4] =	stream.indirect_vreg.scatter [tilespmem:s23], [sflag:$0x2], $0x80, v9, vm0, $0xb8;
	[tilespmem:$0x10180] =	vst v63  }
0xa4: {  	v9 =	vld [tilespmem:$0x110];
	_ =	sdelay $0x4  }
0xa5: {  	v10 =	vshll.u32 v9, $0x3  }
0xa6: {  	v9 =	vand.u32 $0x7, v9;
	v10 =	vand.u32 $0xFFFFFFC0, v10  }
0xa7: {  	v9 =	vor.u32 v9, v10  }
0xa8: {  	v10 =	vperm.xlane v9, v6;
	_ =	sdelay $0x1  }
0xa9: {  	v10 =	vadd.s32 v7, v10;
	_ =	sdelay $0x4  }
0xaa: {  	[hbm4b:s14+s4] =	stream.indirect_vreg.scatter [tilespmem:s24], [sflag:$0x2], $0x80, v10, vm0, $0xb8;
	[tilespmem:$0x10180] =	vst v63  }
0xab: {  	v9 =	vperm.xlane v9, v8  }
0xac: {  	[hbm4b:s9+s4] =	stream.indirect_vreg.scatter [tilespmem:s25], [sflag:$0x2], $0x80, v10, vm0, $0xb8;
	[tilespmem:$0x10180] =	vst v63  }
0xad: {  	v9 =	vadd.s32 v7, v9  }
0xae: {  	[hbm4b:s10+s4] =	stream.indirect_vreg.scatter [tilespmem:s26], [sflag:$0x2], $0x80, v10, vm0, $0xb8;
	[tilespmem:$0x10180] =	vst v63  }
0xaf: {  	_ = 	snop  }
0xb0: {  	[hbm4b:s11+s4] =	stream.indirect_vreg.scatter [tilespmem:s28], [sflag:$0x2], $0x80, v10, vm0, $0xb8;
	[tilespmem:$0x10180] =	vst v63  }
0xb1: {  	_ = 	snop  }
0xb2: {  	[hbm4b:s14+s4] =	stream.indirect_vreg.scatter [tilespmem:s29], [sflag:$0x2], $0x80, v9, vm0, $0xb8;
	[tilespmem:$0x10180] =	vst v63  }
0xb3: {  	_ = 	snop  }
0xb4: {  	[hbm4b:s9+s4] =	stream.indirect_vreg.scatter [tilespmem:s30], [sflag:$0x2], $0x80, v9, vm0, $0xb8;
	[tilespmem:$0x10180] =	vst v63  }
0xb5: {  	_ = 	snop  }
0xb6: {  	[hbm4b:s10+s4] =	stream.indirect_vreg.scatter [tilespmem:s31], [sflag:$0x2], $0x80, v9, vm0, $0xb8;
	[tilespmem:$0x10180] =	vst v63  }
0xb7: {  	_ = 	snop  }
0xb8: {  	[hbm4b:s11+s4] =	stream.indirect_vreg.scatter [tilespmem:s3], [sflag:$0x2], $0x80, v9, vm0, $0xb8;
	[tilespmem:$0x10180] =	vst v63  }
0xb9: {  	_ =	swait.ge [sflag:s0], $0x8000  }
0xba: {  	[sflag:s0] =	ssyncset.done $0x0  }
0xbb: {  	[sflag:s0] =	ssyncadd.s32 $0xFFFF8000  }
0xbc: {  	_ =	swait.ge [sflag:s0], $0x8000  }
0xbd: {  	[sflag:s0] =	ssyncset.done $0x0  }
0xbe: {  	[sflag:s0] =	ssyncadd.s32 $0xFFFF8000  }
0xbf: {  	_ =	swait.ge [sflag:s0], $0x8000  }
0xc0: {  	[sflag:s0] =	ssyncset.done $0x0  }
0xc1: {  	[sflag:s0] =	ssyncadd.s32 $0xFFFF8000  }
0xc2: {  	_ =	swait.ge [sflag:s0], $0x8000  }
0xc3: {  	[sflag:s0] =	ssyncset.done $0x0  }
0xc4: {  	[sflag:s0] =	ssyncadd.s32 $0xFFFF8000  }
0xc5: {  	_ =	swait.ge [sflag:s0], $0x8000  }
0xc6: {  	[sflag:s0] =	ssyncset.done $0x0  }
0xc7: {  	[sflag:s0] =	ssyncadd.s32 $0xFFFF8000  }
0xc8: {  	_ =	swait.ge [sflag:s0], $0x8000  }
0xc9: {  	[sflag:s0] =	ssyncset.done $0x0  }
0xca: {  	[sflag:s0] =	ssyncadd.s32 $0xFFFF8000  }
0xcb: {  	p0 =	sne.s32 s12, $0x1;
	_ =	swait.ge [sflag:s0], $0x8000  }
.Ltmp0:
0xcc: {  	[sflag:s0] =	ssyncset.done $0x0;
	(pc) =	sbr.rel @p0 .LBB2_1-.Ltmp0, $4  }
0xcd: {  	[sflag:s0] =	ssyncadd.s32 $0xFFFF8000  }
0xce: {  	_ =	swait.ge [sflag:s0], $0x8000  }
0xcf: {  	[sflag:s0] =	ssyncset.done $0x0  }
0xd0: {  	s12 =	sadd.s32 $0xFFFFFFFF, s12;
	[sflag:s0] =	ssyncadd.s32 $0xFFFF8000  }
0xd1: {  	_ =	sfence.sel $0x180000  }
0xd2: {  	[bflag:$0x0] =	sbarrier.arrive $0xFFFF  }
0xd3: {  	_ =	strace $0x90000047  }
0xd4: {  	s0 =	stileid.u32;
	[bflag:$0x2] =	sbarrier.arrive $0xFFFF  }
0xd5: {  	p0 =	sne.s32 s0, $0x0;
	s0 =	rddreg [dreg:$0x2]  }
0xd6: {  	s0 =	sadd.s32 @!p0 $0x100000, s0  }
0xd7: {  	[sflag:s0] =	ssyncadd.tile.s32 @!p0 $0x1;
	_ =	shalt  }
.Lfunc_end2:
_tile_overlayer_lowered:
.L_overlay_start_2:
0xd8: {  	(tag) =	ssettag $0x2  }
0xd9: {  	s0 =	rddreg [dreg:$0x0];
	s2 =	stileid.u32  }
0xda: {  	s1 =	rddreg [dreg:$0x1];
	p0 =	sne.s32 s2, $0x0  }
0xdb: {  	s3 =	rddreg [dreg:$0x2];
	[bflag:$0x3] =	sbarrier.arrive $0xFFFF;
	s2 =	simm.s32 @!p0 $0x1C03  }
0xdc: {  	[timem:s3], [sflag:s2] =	dma.local @!p0 [hbm:s0], s1  }
0xdd: {  	s0 =	simm.s32 @!p0 $0x3  }
0xde: {  	_ =	swait.ge @!p0 [sflag:s0], s1  }
0xdf: {  	s1 =	ssub.s32 @!p0 $0x0, s1;
	[sflag:s0] =	ssyncset.done @!p0 $0x0  }
0xe0: {  	[sflag:s0] =	ssyncadd.s32 @!p0 s1  }
0xe1: {  	[bflag:$0x3] =	sbarrier.arrive $0xFFFF  }
0xe2: {  	_ =	shalt  }

</sc_bundles>
